<compile_context>
chip_gen: v7x
topology: tpu7x:2x2x1
jax: 0.10.2.dev20260603
libtpu: 0.0.44.dev20260713+nightly
codegen_flags: <defaults>
</compile_context>

<pallas_src>
import functools

import jax
import jax.numpy as jnp
from jax import lax
from jax.experimental import pallas as pl
from jax.experimental.pallas import tpu as pltpu
from jax.experimental.pallas import tpu_sc as plsc

_EMBED = 128
_NUM_WORKERS = 32
_LANES = 16
_VPR = _EMBED // _LANES
_POS_PAD = 56


def _sc_lookup(ids_t, table, pos):
    seq, batch = ids_t.shape
    bpw = batch // _NUM_WORKERS
    mesh = plsc.VectorSubcoreMesh(core_axis_name="c", subcore_axis_name="s")

    @functools.partial(
        pl.kernel,
        out_type=jax.ShapeDtypeStruct((seq, batch, _EMBED), jnp.float32),
        mesh=mesh,
        compiler_params=pltpu.CompilerParams(skip_device_barrier=True),
        scratch_types=[
            pltpu.VMEM((seq, bpw), jnp.int32),
            pltpu.VMEM((_POS_PAD, _EMBED), jnp.float32),
            pltpu.VMEM((5, bpw, _EMBED), jnp.float32),
            pltpu.SemaphoreType.DMA,
            pltpu.SemaphoreType.DMA,
            pltpu.SemaphoreType.DMA,
            pltpu.SemaphoreType.DMA,
            pltpu.SemaphoreType.DMA,
            pltpu.SemaphoreType.DMA,
            pltpu.SemaphoreType.DMA,
            pltpu.SemaphoreType.DMA,
            pltpu.SemaphoreType.DMA,
            pltpu.SemaphoreType.DMA,
        ],
    )
    def body(ids_hbm, table_hbm, pos_hbm, out_hbm, idx_v, pos_v, rows_v,
             g_sem0, g_sem1, g_sem2, g_sem3, g_sem4,
             s_sem0, s_sem1, s_sem2, s_sem3, s_sem4):
        nc = plsc.get_sparse_core_info().num_cores
        wid = lax.axis_index("s") * nc + lax.axis_index("c")
        b0 = wid * bpw
        g_sems = (g_sem0, g_sem1, g_sem2, g_sem3, g_sem4)
        s_sems = (s_sem0, s_sem1, s_sem2, s_sem3, s_sem4)

        pltpu.sync_copy(ids_hbm.at[:, pl.ds(b0, bpw)], idx_v)
        pltpu.sync_copy(pos_hbm.at[pl.ds(0, _POS_PAD)], pos_v)

        def start_gather(l, buf):
            pltpu.async_copy(table_hbm.at[idx_v.at[l]], rows_v.at[buf],
                             g_sems[buf])

        def wait_gather(buf):
            pltpu.make_async_copy(table_hbm.at[idx_v.at[0]], rows_v.at[buf],
                                  g_sems[buf]).wait()

        def start_store(l, buf):
            pltpu.async_copy(rows_v.at[buf], out_hbm.at[l, pl.ds(b0, bpw)],
                             s_sems[buf])

        def wait_store(buf):
            pltpu.make_async_copy(rows_v.at[buf], out_hbm.at[0, pl.ds(b0, bpw)],
                                  s_sems[buf]).wait()

        def add_pos(l, buf):
            p = [pos_v[l, pl.ds(k * _LANES, _LANES)] for k in range(_VPR)]

            def row_add(r, _):
                for k in range(_VPR):
                    sl = pl.ds(k * _LANES, _LANES)
                    rows_v[buf, r, sl] = rows_v[buf, r, sl] + p[k]
                return 0
            lax.fori_loop(0, bpw, row_add, 0, unroll=False)

        start_gather(0, 0)
        start_gather(1, 1)
        n_groups = seq // 5

        def five_items(i, _):
            for b in range(5):
                l = 5 * i + b
                pre_b = (b + 2) % 5

                def prefetch():
                    start_gather(l + 2, pre_b)

                def prefetch_after_wait():
                    wait_store(pre_b)
                    prefetch()

                if b < 3:
                    pl.when(i > 0)(prefetch_after_wait)
                    pl.when(i == 0)(prefetch)
                else:
                    pl.when(i < n_groups - 1)(prefetch_after_wait)
                wait_gather(b)
                add_pos(l, b)
                start_store(l, b)
            return 0

        lax.fori_loop(0, n_groups, five_items, 0, unroll=False)
        for b in range(5):
            wait_store(b)

    return body(ids_t, table, pos)


def kernel(input_ids, token_embedding, position_embedding):
    ids_t = jnp.transpose(input_ids.astype(jnp.int32))
    out_t = _sc_lookup(ids_t, token_embedding, position_embedding)
    return jnp.transpose(out_t, (1, 0, 2))

# --- scband reference (transcript-rebuilt; emitter-appended) ---
"""Pipeline reference for scband-ne-ticliptext-embeddings-13804024889953 (READ-ONLY COPY).

The authoritative reference and input builder live on the scoring server;
editing this copy changes nothing except your own understanding.
"""

import jax, jax.numpy as jnp
import numpy as np

VOCAB = 100000
MAX_POS = 77
EMBED = 128
B, L = 4096, 50

def setup_inputs(seed: int = 0) -> dict:
    key = jax.random.key(seed)
    k1, k2, k3 = jax.random.split(key, 3)
    input_ids = jax.random.randint(k1, (B, L), 0, VOCAB)
    token_embedding = jax.random.normal(k2, (VOCAB, EMBED), dtype=jnp.float32) * 0.02
    position_embedding = jax.random.normal(k3, (MAX_POS, EMBED), dtype=jnp.float32) * 0.02
    return {"input_ids": input_ids, "token_embedding": token_embedding, "position_embedding": position_embedding}

def reference(input_ids, token_embedding, position_embedding):
    # batch is None path of NeTICLIPTextEmbeddings.forward
    seq_length = input_ids.shape[-1]
    position_ids = jnp.arange(MAX_POS)[None, :][:, :seq_length]
    inputs_embeds = jnp.take(token_embedding, input_ids, axis=0)
    position_embeddings = jnp.take(position_embedding, position_ids, axis=0)
    v_base = inputs_embeds + position_embeddings
    # v_bypass is None in this path; return v_base only
    return v_base

if __name__ == "__main__":
    import jax
    _d = setup_inputs()
    print(jax.jit(kernel)(*tuple(_d.values())))

</pallas_src>

<mosaic_0001>
#map = affine_map<(d0, d1) -> (0, 0)>
#map1 = affine_map<(d0, d1) -> (0, 0, 0)>
module attributes {stable_mosaic.version = 14 : i64} {
  func.func @body(%arg0: i32, %arg1: i32, %arg2: memref<50x4096xi32, #tpu.memory_space<hbm>>, %arg3: memref<100000x128xf32, #tpu.memory_space<hbm>>, %arg4: memref<77x128xf32, #tpu.memory_space<hbm>>, %arg5: memref<50x4096x128xf32, #tpu.memory_space<hbm>>, %arg6: memref<50x128xi32, #tpu.memory_space<vmem>>, %arg7: memref<56x128xf32, #tpu.memory_space<vmem>>, %arg8: memref<5x128x128xf32, #tpu.memory_space<vmem>>, %arg9: memref<!tpu.dma_semaphore, #tpu.memory_space<semaphore_mem>>, %arg10: memref<!tpu.dma_semaphore, #tpu.memory_space<semaphore_mem>>, %arg11: memref<!tpu.dma_semaphore, #tpu.memory_space<semaphore_mem>>, %arg12: memref<!tpu.dma_semaphore, #tpu.memory_space<semaphore_mem>>, %arg13: memref<!tpu.dma_semaphore, #tpu.memory_space<semaphore_mem>>, %arg14: memref<!tpu.dma_semaphore, #tpu.memory_space<semaphore_mem>>, %arg15: memref<!tpu.dma_semaphore, #tpu.memory_space<semaphore_mem>>, %arg16: memref<!tpu.dma_semaphore, #tpu.memory_space<semaphore_mem>>, %arg17: memref<!tpu.dma_semaphore, #tpu.memory_space<semaphore_mem>>, %arg18: memref<!tpu.dma_semaphore, #tpu.memory_space<semaphore_mem>>) attributes {dimension_semantics = [#tpu.dimension_semantics<core_parallel>, #tpu.dimension_semantics<subcore_parallel>], iteration_bounds = array<i64: 2, 16>, scalar_prefetch = 0 : i64, scratch_operands = 13 : i64, tpu.core_type = #tpu.core_type<sc_vector_subcore>, window_params = [{transform_indices = #map}, {transform_indices = #map}, {transform_indices = #map}, {transform_indices = #map1}]} {
    %mul3A = arith.constant 2 : i32
    %mul3A_0 = arith.muli %arg1, %mul3A : i32
    %add3A = arith.addi %mul3A_0, %arg0 : i32
    %mul3A_1 = arith.constant 128 : i32
    %mul3A_2 = arith.muli %add3A, %mul3A_1 : i32
    "tpu.region"() ({
      %run_scoped3A = tpu.sem_alloc : memref<!tpu.dma_semaphore, #tpu.memory_space<semaphore_mem>>
      %dma_start3A_111 = arith.constant 0 : i32
      %dma_start3A_112 = tpu.memref_slice %arg2[%dma_start3A_111, %mul3A_2] : memref<50x4096xi32, #tpu.memory_space<hbm>> -> memref<50x128xi32, #tpu.memory_space<hbm>>
      %dma_start3A_113 = arith.constant 0 : i32
      %dma_start3A_114 = tpu.memref_slice %arg2[%dma_start3A_113, %mul3A_2] : memref<50x4096xi32, #tpu.memory_space<hbm>> -> memref<50x128xi32, #tpu.memory_space<hbm>>
      tpu.enqueue_dma source(%dma_start3A_114 : memref<50x128xi32, #tpu.memory_space<hbm>>) target(%arg6 : memref<50x128xi32, #tpu.memory_space<vmem>>) target_semaphore(%run_scoped3A : memref<!tpu.dma_semaphore, #tpu.memory_space<semaphore_mem>>)
      %dma_wait3A_115 = arith.constant 0 : i32
      %dma_wait3A_116 = tpu.memref_slice %arg2[%dma_wait3A_115, %mul3A_2] : memref<50x4096xi32, #tpu.memory_space<hbm>> -> memref<50x128xi32, #tpu.memory_space<hbm>>
      %dma_wait3A_117 = arith.constant 0 : i32
      %dma_wait3A_118 = tpu.memref_slice %arg2[%dma_wait3A_117, %mul3A_2] : memref<50x4096xi32, #tpu.memory_space<hbm>> -> memref<50x128xi32, #tpu.memory_space<hbm>>
      tpu.wait_dma2 semaphore(%run_scoped3A : memref<!tpu.dma_semaphore, #tpu.memory_space<semaphore_mem>>) src(%dma_wait3A_118 : memref<50x128xi32, #tpu.memory_space<hbm>>) dst(%arg6 : memref<50x128xi32, #tpu.memory_space<vmem>>)
      tpu.yield
    }) : () -> ()
    "tpu.region"() ({
      %run_scoped3A = tpu.sem_alloc : memref<!tpu.dma_semaphore, #tpu.memory_space<semaphore_mem>>
      %dma_start3A_111 = arith.constant 0 : i32
      %dma_start3A_112 = arith.constant 0 : i32
      %dma_start3A_113 = tpu.memref_slice %arg4[%dma_start3A_111, %dma_start3A_112] : memref<77x128xf32, #tpu.memory_space<hbm>> -> memref<56x128xf32, #tpu.memory_space<hbm>>
      %dma_start3A_114 = arith.constant 0 : i32
      %dma_start3A_115 = arith.constant 0 : i32
      %dma_start3A_116 = tpu.memref_slice %arg4[%dma_start3A_114, %dma_start3A_115] : memref<77x128xf32, #tpu.memory_space<hbm>> -> memref<56x128xf32, #tpu.memory_space<hbm>>
      tpu.enqueue_dma source(%dma_start3A_116 : memref<56x128xf32, #tpu.memory_space<hbm>>) target(%arg7 : memref<56x128xf32, #tpu.memory_space<vmem>>) target_semaphore(%run_scoped3A : memref<!tpu.dma_semaphore, #tpu.memory_space<semaphore_mem>>)
      %dma_wait3A_117 = arith.constant 0 : i32
      %dma_wait3A_118 = arith.constant 0 : i32
      %dma_wait3A_119 = tpu.memref_slice %arg4[%dma_wait3A_117, %dma_wait3A_118] : memref<77x128xf32, #tpu.memory_space<hbm>> -> memref<56x128xf32, #tpu.memory_space<hbm>>
      %dma_wait3A_120 = arith.constant 0 : i32
      %dma_wait3A_121 = arith.constant 0 : i32
      %dma_wait3A_122 = tpu.memref_slice %arg4[%dma_wait3A_120, %dma_wait3A_121] : memref<77x128xf32, #tpu.memory_space<hbm>> -> memref<56x128xf32, #tpu.memory_space<hbm>>
      tpu.wait_dma2 semaphore(%run_scoped3A : memref<!tpu.dma_semaphore, #tpu.memory_space<semaphore_mem>>) src(%dma_wait3A_122 : memref<56x128xf32, #tpu.memory_space<hbm>>) dst(%arg7 : memref<56x128xf32, #tpu.memory_space<vmem>>)
      tpu.yield
    }) : () -> ()
    %dma_start3A = arith.constant 0 : i32
    %dma_start3A_3 = arith.constant 0 : i32
    %dma_start3A_4 = arith.constant 0 : i32
    %dma_start3A_5 = arith.constant 0 : i32
    %dma_start3A_6 = tpu.memref_slice %arg8[%dma_start3A_3, %dma_start3A_4, %dma_start3A_5] : memref<5x128x128xf32, #tpu.memory_space<vmem>> -> memref<1x128x128xf32, #tpu.memory_space<vmem>>
    %dma_start3A_7 = tpu.memref_squeeze %dma_start3A_6 : memref<1x128x128xf32, #tpu.memory_space<vmem>> -> memref<128x128xf32, #tpu.memory_space<vmem>>
    %dma_start3A_8 = arith.constant 0 : i32
    %dma_start3A_9 = tpu.memref_slice %arg6[%dma_start3A, %dma_start3A_8] : memref<50x128xi32, #tpu.memory_space<vmem>> -> memref<1x128xi32, #tpu.memory_space<vmem>>
    %dma_start3A_10 = tpu.memref_squeeze %dma_start3A_9 : memref<1x128xi32, #tpu.memory_space<vmem>> -> memref<128xi32, #tpu.memory_space<vmem>>
    %dma_start3A_11 = arith.constant 0 : i32
    %dma_start3A_12 = arith.constant 0 : i32
    %dma_start3A_13 = tpu.memref_slice %arg3[%dma_start3A_11, %dma_start3A_12] : memref<100000x128xf32, #tpu.memory_space<hbm>> -> memref<100000x128xf32, #tpu.memory_space<hbm>>
    tpu.enqueue_indirect_dma source(%dma_start3A_13 : memref<100000x128xf32, #tpu.memory_space<hbm>>) target(%dma_start3A_7 : memref<128x128xf32, #tpu.memory_space<vmem>>) offsets(%dma_start3A_10 : memref<128xi32, #tpu.memory_space<vmem>>) semaphore(%arg9 : memref<!tpu.dma_semaphore, #tpu.memory_space<semaphore_mem>>)
    %dma_start3A_14 = arith.constant 1 : i32
    %dma_start3A_15 = arith.constant 1 : i32
    %dma_start3A_16 = arith.constant 0 : i32
    %dma_start3A_17 = arith.constant 0 : i32
    %dma_start3A_18 = tpu.memref_slice %arg8[%dma_start3A_15, %dma_start3A_16, %dma_start3A_17] : memref<5x128x128xf32, #tpu.memory_space<vmem>> -> memref<1x128x128xf32, #tpu.memory_space<vmem>>
    %dma_start3A_19 = tpu.memref_squeeze %dma_start3A_18 : memref<1x128x128xf32, #tpu.memory_space<vmem>> -> memref<128x128xf32, #tpu.memory_space<vmem>>
    %dma_start3A_20 = arith.constant 0 : i32
    %dma_start3A_21 = tpu.memref_slice %arg6[%dma_start3A_14, %dma_start3A_20] : memref<50x128xi32, #tpu.memory_space<vmem>> -> memref<1x128xi32, #tpu.memory_space<vmem>>
    %dma_start3A_22 = tpu.memref_squeeze %dma_start3A_21 : memref<1x128xi32, #tpu.memory_space<vmem>> -> memref<128xi32, #tpu.memory_space<vmem>>
    %dma_start3A_23 = arith.constant 0 : i32
    %dma_start3A_24 = arith.constant 0 : i32
    %dma_start3A_25 = tpu.memref_slice %arg3[%dma_start3A_23, %dma_start3A_24] : memref<100000x128xf32, #tpu.memory_space<hbm>> -> memref<100000x128xf32, #tpu.memory_space<hbm>>
    tpu.enqueue_indirect_dma source(%dma_start3A_25 : memref<100000x128xf32, #tpu.memory_space<hbm>>) target(%dma_start3A_19 : memref<128x128xf32, #tpu.memory_space<vmem>>) offsets(%dma_start3A_22 : memref<128xi32, #tpu.memory_space<vmem>>) semaphore(%arg10 : memref<!tpu.dma_semaphore, #tpu.memory_space<semaphore_mem>>)
    %scan3A = arith.constant 0 : i32
    %scan3A_26 = arith.constant 0 : i32
    %scan3A_27 = arith.constant 10 : i32
    %scan3A_28 = arith.addi %scan3A_26, %scan3A_27 : i32
    %scan3A_29 = arith.constant 1 : i32
    %scan3A_30 = scf.for %scan3A_111 = %scan3A_26 to %scan3A_28 step %scan3A_29 iter_args(%scan3A_112 = %scan3A) -> (i32)  : i32 {
      %mul3A_113 = arith.constant 5 : i32
      %mul3A_114 = arith.muli %mul3A_113, %scan3A_111 : i32
      %add3A_115 = arith.constant 0 : i32
      %add3A_116 = arith.addi %mul3A_114, %add3A_115 : i32
      %gt3A = arith.constant 0 : i32
      %gt3A_117 = arith.cmpi sgt, %scan3A_111, %gt3A : i32
      %convert_element_type3A = arith.extui %gt3A_117 : i1 to i32
      %cond3A = arith.constant 0 : i32
      %cond3A_118 = arith.cmpi ne, %convert_element_type3A, %cond3A : i32
      scf.if %cond3A_118 {
        %dma_wait3A_498 = arith.constant 2 : i32
        %dma_wait3A_499 = arith.constant 0 : i32
        %dma_wait3A_500 = arith.constant 0 : i32
        %dma_wait3A_501 = arith.constant 0 : i32
        %dma_wait3A_502 = tpu.memref_slice %arg8[%dma_wait3A_498, %dma_wait3A_500, %dma_wait3A_501] : memref<5x128x128xf32, #tpu.memory_space<vmem>> -> memref<1x128x128xf32, #tpu.memory_space<vmem>>
        %dma_wait3A_503 = tpu.memref_squeeze %dma_wait3A_502 : memref<1x128x128xf32, #tpu.memory_space<vmem>> -> memref<128x128xf32, #tpu.memory_space<vmem>>
        %dma_wait3A_504 = arith.constant 0 : i32
        %dma_wait3A_505 = tpu.memref_slice %arg5[%dma_wait3A_499, %mul3A_2, %dma_wait3A_504] : memref<50x4096x128xf32, #tpu.memory_space<hbm>> -> memref<1x128x128xf32, #tpu.memory_space<hbm>>
        %dma_wait3A_506 = tpu.memref_squeeze %dma_wait3A_505 : memref<1x128x128xf32, #tpu.memory_space<hbm>> -> memref<128x128xf32, #tpu.memory_space<hbm>>
        %dma_wait3A_507 = arith.constant 0 : i32
        %dma_wait3A_508 = tpu.memref_slice %arg5[%dma_wait3A_499, %mul3A_2, %dma_wait3A_507] : memref<50x4096x128xf32, #tpu.memory_space<hbm>> -> memref<1x128x128xf32, #tpu.memory_space<hbm>>
        %dma_wait3A_509 = tpu.memref_squeeze %dma_wait3A_508 : memref<1x128x128xf32, #tpu.memory_space<hbm>> -> memref<128x128xf32, #tpu.memory_space<hbm>>
        %dma_wait3A_510 = arith.constant 0 : i32
        %dma_wait3A_511 = arith.constant 0 : i32
        %dma_wait3A_512 = tpu.memref_slice %arg8[%dma_wait3A_498, %dma_wait3A_510, %dma_wait3A_511] : memref<5x128x128xf32, #tpu.memory_space<vmem>> -> memref<1x128x128xf32, #tpu.memory_space<vmem>>
        %dma_wait3A_513 = tpu.memref_squeeze %dma_wait3A_512 : memref<1x128x128xf32, #tpu.memory_space<vmem>> -> memref<128x128xf32, #tpu.memory_space<vmem>>
        tpu.wait_dma2 semaphore(%arg16 : memref<!tpu.dma_semaphore, #tpu.memory_space<semaphore_mem>>) src(%dma_wait3A_513 : memref<128x128xf32, #tpu.memory_space<vmem>>) dst(%dma_wait3A_509 : memref<128x128xf32, #tpu.memory_space<hbm>>)
        %add3A_514 = arith.constant 2 : i32
        %add3A_515 = arith.addi %add3A_116, %add3A_514 : i32
        %dma_start3A_516 = arith.constant 2 : i32
        %dma_start3A_517 = arith.constant 0 : i32
        %dma_start3A_518 = arith.constant 0 : i32
        %dma_start3A_519 = tpu.memref_slice %arg8[%dma_start3A_516, %dma_start3A_517, %dma_start3A_518] : memref<5x128x128xf32, #tpu.memory_space<vmem>> -> memref<1x128x128xf32, #tpu.memory_space<vmem>>
        %dma_start3A_520 = tpu.memref_squeeze %dma_start3A_519 : memref<1x128x128xf32, #tpu.memory_space<vmem>> -> memref<128x128xf32, #tpu.memory_space<vmem>>
        %dma_start3A_521 = arith.constant 0 : i32
        %dma_start3A_522 = tpu.memref_slice %arg6[%add3A_515, %dma_start3A_521] : memref<50x128xi32, #tpu.memory_space<vmem>> -> memref<1x128xi32, #tpu.memory_space<vmem>>
        %dma_start3A_523 = tpu.memref_squeeze %dma_start3A_522 : memref<1x128xi32, #tpu.memory_space<vmem>> -> memref<128xi32, #tpu.memory_space<vmem>>
        %dma_start3A_524 = arith.constant 0 : i32
        %dma_start3A_525 = arith.constant 0 : i32
        %dma_start3A_526 = tpu.memref_slice %arg3[%dma_start3A_524, %dma_start3A_525] : memref<100000x128xf32, #tpu.memory_space<hbm>> -> memref<100000x128xf32, #tpu.memory_space<hbm>>
        tpu.enqueue_indirect_dma source(%dma_start3A_526 : memref<100000x128xf32, #tpu.memory_space<hbm>>) target(%dma_start3A_520 : memref<128x128xf32, #tpu.memory_space<vmem>>) offsets(%dma_start3A_523 : memref<128xi32, #tpu.memory_space<vmem>>) semaphore(%arg11 : memref<!tpu.dma_semaphore, #tpu.memory_space<semaphore_mem>>)
      } else {
      }
      %eq3A = arith.constant 0 : i32
      %eq3A_119 = arith.cmpi eq, %scan3A_111, %eq3A : i32
      %convert_element_type3A_120 = arith.extui %eq3A_119 : i1 to i32
      %cond3A_121 = arith.constant 0 : i32
      %cond3A_122 = arith.cmpi ne, %convert_element_type3A_120, %cond3A_121 : i32
      scf.if %cond3A_122 {
        %add3A_498 = arith.constant 2 : i32
        %add3A_499 = arith.addi %add3A_116, %add3A_498 : i32
        %dma_start3A_500 = arith.constant 2 : i32
        %dma_start3A_501 = arith.constant 0 : i32
        %dma_start3A_502 = arith.constant 0 : i32
        %dma_start3A_503 = tpu.memref_slice %arg8[%dma_start3A_500, %dma_start3A_501, %dma_start3A_502] : memref<5x128x128xf32, #tpu.memory_space<vmem>> -> memref<1x128x128xf32, #tpu.memory_space<vmem>>
        %dma_start3A_504 = tpu.memref_squeeze %dma_start3A_503 : memref<1x128x128xf32, #tpu.memory_space<vmem>> -> memref<128x128xf32, #tpu.memory_space<vmem>>
        %dma_start3A_505 = arith.constant 0 : i32
        %dma_start3A_506 = tpu.memref_slice %arg6[%add3A_499, %dma_start3A_505] : memref<50x128xi32, #tpu.memory_space<vmem>> -> memref<1x128xi32, #tpu.memory_space<vmem>>
        %dma_start3A_507 = tpu.memref_squeeze %dma_start3A_506 : memref<1x128xi32, #tpu.memory_space<vmem>> -> memref<128xi32, #tpu.memory_space<vmem>>
        %dma_start3A_508 = arith.constant 0 : i32
        %dma_start3A_509 = arith.constant 0 : i32
        %dma_start3A_510 = tpu.memref_slice %arg3[%dma_start3A_508, %dma_start3A_509] : memref<100000x128xf32, #tpu.memory_space<hbm>> -> memref<100000x128xf32, #tpu.memory_space<hbm>>
        tpu.enqueue_indirect_dma source(%dma_start3A_510 : memref<100000x128xf32, #tpu.memory_space<hbm>>) target(%dma_start3A_504 : memref<128x128xf32, #tpu.memory_space<vmem>>) offsets(%dma_start3A_507 : memref<128xi32, #tpu.memory_space<vmem>>) semaphore(%arg11 : memref<!tpu.dma_semaphore, #tpu.memory_space<semaphore_mem>>)
      } else {
      }
      %dma_wait3A_123 = arith.constant 0 : i32
      %dma_wait3A_124 = arith.constant 0 : i32
      %dma_wait3A_125 = arith.constant 0 : i32
      %dma_wait3A_126 = arith.constant 0 : i32
      %dma_wait3A_127 = tpu.memref_slice %arg8[%dma_wait3A_124, %dma_wait3A_125, %dma_wait3A_126] : memref<5x128x128xf32, #tpu.memory_space<vmem>> -> memref<1x128x128xf32, #tpu.memory_space<vmem>>
      %dma_wait3A_128 = tpu.memref_squeeze %dma_wait3A_127 : memref<1x128x128xf32, #tpu.memory_space<vmem>> -> memref<128x128xf32, #tpu.memory_space<vmem>>
      %dma_wait3A_129 = arith.constant 0 : i32
      %dma_wait3A_130 = tpu.memref_slice %arg6[%dma_wait3A_123, %dma_wait3A_129] : memref<50x128xi32, #tpu.memory_space<vmem>> -> memref<1x128xi32, #tpu.memory_space<vmem>>
      %dma_wait3A_131 = tpu.memref_squeeze %dma_wait3A_130 : memref<1x128xi32, #tpu.memory_space<vmem>> -> memref<128xi32, #tpu.memory_space<vmem>>
      %dma_wait3A_132 = arith.constant 0 : i32
      %dma_wait3A_133 = arith.constant 0 : i32
      %dma_wait3A_134 = tpu.memref_slice %arg3[%dma_wait3A_132, %dma_wait3A_133] : memref<100000x128xf32, #tpu.memory_space<hbm>> -> memref<100000x128xf32, #tpu.memory_space<hbm>>
      tpu.wait_indirect_dma semaphore(%arg9 : memref<!tpu.dma_semaphore, #tpu.memory_space<semaphore_mem>>) src(%dma_wait3A_134 : memref<100000x128xf32, #tpu.memory_space<hbm>>) dst(%dma_wait3A_128 : memref<128x128xf32, #tpu.memory_space<vmem>>)
      %get3A = arith.index_cast %add3A_116 : i32 to index
      %get3A_135 = arith.constant 0 : index
      %get3A_136 = tpu.vector_load %arg7[%get3A, %get3A_135] {strides = array<i32>} : memref<56x128xf32, #tpu.memory_space<vmem>>, vector<1x16xf32>,
      %get3A_137 = vector.shape_cast %get3A_136 : vector<1x16xf32> to vector<16xf32>
      %get3A_138 = arith.index_cast %add3A_116 : i32 to index
      %get3A_139 = arith.constant 16 : index
      %get3A_140 = tpu.vector_load %arg7[%get3A_138, %get3A_139] {strides = array<i32>} : memref<56x128xf32, #tpu.memory_space<vmem>>, vector<1x16xf32>,
      %get3A_141 = vector.shape_cast %get3A_140 : vector<1x16xf32> to vector<16xf32>
      %get3A_142 = arith.index_cast %add3A_116 : i32 to index
      %get3A_143 = arith.constant 32 : index
      %get3A_144 = tpu.vector_load %arg7[%get3A_142, %get3A_143] {strides = array<i32>} : memref<56x128xf32, #tpu.memory_space<vmem>>, vector<1x16xf32>,
      %get3A_145 = vector.shape_cast %get3A_144 : vector<1x16xf32> to vector<16xf32>
      %get3A_146 = arith.index_cast %add3A_116 : i32 to index
      %get3A_147 = arith.constant 48 : index
      %get3A_148 = tpu.vector_load %arg7[%get3A_146, %get3A_147] {strides = array<i32>} : memref<56x128xf32, #tpu.memory_space<vmem>>, vector<1x16xf32>,
      %get3A_149 = vector.shape_cast %get3A_148 : vector<1x16xf32> to vector<16xf32>
      %get3A_150 = arith.index_cast %add3A_116 : i32 to index
      %get3A_151 = arith.constant 64 : index
      %get3A_152 = tpu.vector_load %arg7[%get3A_150, %get3A_151] {strides = array<i32>} : memref<56x128xf32, #tpu.memory_space<vmem>>, vector<1x16xf32>,
      %get3A_153 = vector.shape_cast %get3A_152 : vector<1x16xf32> to vector<16xf32>
      %get3A_154 = arith.index_cast %add3A_116 : i32 to index
      %get3A_155 = arith.constant 80 : index
      %get3A_156 = tpu.vector_load %arg7[%get3A_154, %get3A_155] {strides = array<i32>} : memref<56x128xf32, #tpu.memory_space<vmem>>, vector<1x16xf32>,
      %get3A_157 = vector.shape_cast %get3A_156 : vector<1x16xf32> to vector<16xf32>
      %get3A_158 = arith.index_cast %add3A_116 : i32 to index
      %get3A_159 = arith.constant 96 : index
      %get3A_160 = tpu.vector_load %arg7[%get3A_158, %get3A_159] {strides = array<i32>} : memref<56x128xf32, #tpu.memory_space<vmem>>, vector<1x16xf32>,
      %get3A_161 = vector.shape_cast %get3A_160 : vector<1x16xf32> to vector<16xf32>
      %get3A_162 = arith.index_cast %add3A_116 : i32 to index
      %get3A_163 = arith.constant 112 : index
      %get3A_164 = tpu.vector_load %arg7[%get3A_162, %get3A_163] {strides = array<i32>} : memref<56x128xf32, #tpu.memory_space<vmem>>, vector<1x16xf32>,
      %get3A_165 = vector.shape_cast %get3A_164 : vector<1x16xf32> to vector<16xf32>
      %scan3A_166 = arith.constant 0 : i32
      %scan3A_167 = arith.constant 0 : i32
      %scan3A_168 = arith.constant 128 : i32
      %scan3A_169 = arith.addi %scan3A_167, %scan3A_168 : i32
      %scan3A_170 = arith.constant 1 : i32
      %scan3A_171 = scf.for %scan3A_498 = %scan3A_167 to %scan3A_169 step %scan3A_170 iter_args(%scan3A_499 = %scan3A_166) -> (i32)  : i32 {
        %get3A_500 = arith.constant 0 : i32
        %get3A_501 = arith.index_cast %get3A_500 : i32 to index
        %get3A_502 = arith.index_cast %scan3A_498 : i32 to index
        %get3A_503 = arith.constant 0 : index
        %get3A_504 = tpu.vector_load %arg8[%get3A_501, %get3A_502, %get3A_503] {strides = array<i32>} : memref<5x128x128xf32, #tpu.memory_space<vmem>>, vector<1x1x16xf32>,
        %get3A_505 = vector.shape_cast %get3A_504 : vector<1x1x16xf32> to vector<16xf32>
        %add3A_506 = arith.addf %get3A_505, %get3A_137 : vector<16xf32>
        %swap3A = arith.constant 0 : i32
        %swap3A_507 = arith.index_cast %swap3A : i32 to index
        %swap3A_508 = arith.index_cast %scan3A_498 : i32 to index
        %swap3A_509 = arith.constant 0 : index
        %swap3A_510 = tpu.vector_load %arg8[%swap3A_507, %swap3A_508, %swap3A_509] {strides = array<i32>} : memref<5x128x128xf32, #tpu.memory_space<vmem>>, vector<1x1x16xf32>,
        %swap3A_511 = vector.shape_cast %swap3A_510 : vector<1x1x16xf32> to vector<16xf32>
        %swap3A_512 = vector.shape_cast %add3A_506 : vector<16xf32> to vector<1x1x16xf32>
        tpu.vector_store %arg8[%swap3A_507, %swap3A_508, %swap3A_509], %swap3A_512 {strides = array<i32>} : memref<5x128x128xf32, #tpu.memory_space<vmem>>, vector<1x1x16xf32>,
        %get3A_513 = arith.constant 0 : i32
        %get3A_514 = arith.index_cast %get3A_513 : i32 to index
        %get3A_515 = arith.index_cast %scan3A_498 : i32 to index
        %get3A_516 = arith.constant 16 : index
        %get3A_517 = tpu.vector_load %arg8[%get3A_514, %get3A_515, %get3A_516] {strides = array<i32>} : memref<5x128x128xf32, #tpu.memory_space<vmem>>, vector<1x1x16xf32>,
        %get3A_518 = vector.shape_cast %get3A_517 : vector<1x1x16xf32> to vector<16xf32>
        %add3A_519 = arith.addf %get3A_518, %get3A_141 : vector<16xf32>
        %swap3A_520 = arith.constant 0 : i32
        %swap3A_521 = arith.index_cast %swap3A_520 : i32 to index
        %swap3A_522 = arith.index_cast %scan3A_498 : i32 to index
        %swap3A_523 = arith.constant 16 : index
        %swap3A_524 = tpu.vector_load %arg8[%swap3A_521, %swap3A_522, %swap3A_523] {strides = array<i32>} : memref<5x128x128xf32, #tpu.memory_space<vmem>>, vector<1x1x16xf32>,
        %swap3A_525 = vector.shape_cast %swap3A_524 : vector<1x1x16xf32> to vector<16xf32>
        %swap3A_526 = vector.shape_cast %add3A_519 : vector<16xf32> to vector<1x1x16xf32>
        tpu.vector_store %arg8[%swap3A_521, %swap3A_522, %swap3A_523], %swap3A_526 {strides = array<i32>} : memref<5x128x128xf32, #tpu.memory_space<vmem>>, vector<1x1x16xf32>,
        %get3A_527 = arith.constant 0 : i32
        %get3A_528 = arith.index_cast %get3A_527 : i32 to index
        %get3A_529 = arith.index_cast %scan3A_498 : i32 to index
        %get3A_530 = arith.constant 32 : index
        %get3A_531 = tpu.vector_load %arg8[%get3A_528, %get3A_529, %get3A_530] {strides = array<i32>} : memref<5x128x128xf32, #tpu.memory_space<vmem>>, vector<1x1x16xf32>,
        %get3A_532 = vector.shape_cast %get3A_531 : vector<1x1x16xf32> to vector<16xf32>
        %add3A_533 = arith.addf %get3A_532, %get3A_145 : vector<16xf32>
        %swap3A_534 = arith.constant 0 : i32
        %swap3A_535 = arith.index_cast %swap3A_534 : i32 to index
        %swap3A_536 = arith.index_cast %scan3A_498 : i32 to index
        %swap3A_537 = arith.constant 32 : index
        %swap3A_538 = tpu.vector_load %arg8[%swap3A_535, %swap3A_536, %swap3A_537] {strides = array<i32>} : memref<5x128x128xf32, #tpu.memory_space<vmem>>, vector<1x1x16xf32>,
        %swap3A_539 = vector.shape_cast %swap3A_538 : vector<1x1x16xf32> to vector<16xf32>
        %swap3A_540 = vector.shape_cast %add3A_533 : vector<16xf32> to vector<1x1x16xf32>
        tpu.vector_store %arg8[%swap3A_535, %swap3A_536, %swap3A_537], %swap3A_540 {strides = array<i32>} : memref<5x128x128xf32, #tpu.memory_space<vmem>>, vector<1x1x16xf32>,
        %get3A_541 = arith.constant 0 : i32
        %get3A_542 = arith.index_cast %get3A_541 : i32 to index
        %get3A_543 = arith.index_cast %scan3A_498 : i32 to index
        %get3A_544 = arith.constant 48 : index
        %get3A_545 = tpu.vector_load %arg8[%get3A_542, %get3A_543, %get3A_544] {strides = array<i32>} : memref<5x128x128xf32, #tpu.memory_space<vmem>>, vector<1x1x16xf32>,
        %get3A_546 = vector.shape_cast %get3A_545 : vector<1x1x16xf32> to vector<16xf32>
        %add3A_547 = arith.addf %get3A_546, %get3A_149 : vector<16xf32>
        %swap3A_548 = arith.constant 0 : i32
        %swap3A_549 = arith.index_cast %swap3A_548 : i32 to index
        %swap3A_550 = arith.index_cast %scan3A_498 : i32 to index
        %swap3A_551 = arith.constant 48 : index
        %swap3A_552 = tpu.vector_load %arg8[%swap3A_549, %swap3A_550, %swap3A_551] {strides = array<i32>} : memref<5x128x128xf32, #tpu.memory_space<vmem>>, vector<1x1x16xf32>,
        %swap3A_553 = vector.shape_cast %swap3A_552 : vector<1x1x16xf32> to vector<16xf32>
        %swap3A_554 = vector.shape_cast %add3A_547 : vector<16xf32> to vector<1x1x16xf32>
        tpu.vector_store %arg8[%swap3A_549, %swap3A_550, %swap3A_551], %swap3A_554 {strides = array<i32>} : memref<5x128x128xf32, #tpu.memory_space<vmem>>, vector<1x1x16xf32>,
        %get3A_555 = arith.constant 0 : i32
        %get3A_556 = arith.index_cast %get3A_555 : i32 to index
        %get3A_557 = arith.index_cast %scan3A_498 : i32 to index
        %get3A_558 = arith.constant 64 : index
        %get3A_559 = tpu.vector_load %arg8[%get3A_556, %get3A_557, %get3A_558] {strides = array<i32>} : memref<5x128x128xf32, #tpu.memory_space<vmem>>, vector<1x1x16xf32>,
        %get3A_560 = vector.shape_cast %get3A_559 : vector<1x1x16xf32> to vector<16xf32>
        %add3A_561 = arith.addf %get3A_560, %get3A_153 : vector<16xf32>
        %swap3A_562 = arith.constant 0 : i32
        %swap3A_563 = arith.index_cast %swap3A_562 : i32 to index
        %swap3A_564 = arith.index_cast %scan3A_498 : i32 to index
        %swap3A_565 = arith.constant 64 : index
        %swap3A_566 = tpu.vector_load %arg8[%swap3A_563, %swap3A_564, %swap3A_565] {strides = array<i32>} : memref<5x128x128xf32, #tpu.memory_space<vmem>>, vector<1x1x16xf32>,
        %swap3A_567 = vector.shape_cast %swap3A_566 : vector<1x1x16xf32> to vector<16xf32>
        %swap3A_568 = vector.shape_cast %add3A_561 : vector<16xf32> to vector<1x1x16xf32>
        tpu.vector_store %arg8[%swap3A_563, %swap3A_564, %swap3A_565], %swap3A_568 {strides = array<i32>} : memref<5x128x128xf32, #tpu.memory_space<vmem>>, vector<1x1x16xf32>,
        %get3A_569 = arith.constant 0 : i32
        %get3A_570 = arith.index_cast %get3A_569 : i32 to index
        %get3A_571 = arith.index_cast %scan3A_498 : i32 to index
        %get3A_572 = arith.constant 80 : index
        %get3A_573 = tpu.vector_load %arg8[%get3A_570, %get3A_571, %get3A_572] {strides = array<i32>} : memref<5x128x128xf32, #tpu.memory_space<vmem>>, vector<1x1x16xf32>,
        %get3A_574 = vector.shape_cast %get3A_573 : vector<1x1x16xf32> to vector<16xf32>
        %add3A_575 = arith.addf %get3A_574, %get3A_157 : vector<16xf32>
        %swap3A_576 = arith.constant 0 : i32
        %swap3A_577 = arith.index_cast %swap3A_576 : i32 to index
        %swap3A_578 = arith.index_cast %scan3A_498 : i32 to index
        %swap3A_579 = arith.constant 80 : index
        %swap3A_580 = tpu.vector_load %arg8[%swap3A_577, %swap3A_578, %swap3A_579] {strides = array<i32>} : memref<5x128x128xf32, #tpu.memory_space<vmem>>, vector<1x1x16xf32>,
        %swap3A_581 = vector.shape_cast %swap3A_580 : vector<1x1x16xf32> to vector<16xf32>
        %swap3A_582 = vector.shape_cast %add3A_575 : vector<16xf32> to vector<1x1x16xf32>
        tpu.vector_store %arg8[%swap3A_577, %swap3A_578, %swap3A_579], %swap3A_582 {strides = array<i32>} : memref<5x128x128xf32, #tpu.memory_space<vmem>>, vector<1x1x16xf32>,
        %get3A_583 = arith.constant 0 : i32
        %get3A_584 = arith.index_cast %get3A_583 : i32 to index
        %get3A_585 = arith.index_cast %scan3A_498 : i32 to index
        %get3A_586 = arith.constant 96 : index
        %get3A_587 = tpu.vector_load %arg8[%get3A_584, %get3A_585, %get3A_586] {strides = array<i32>} : memref<5x128x128xf32, #tpu.memory_space<vmem>>, vector<1x1x16xf32>,
        %get3A_588 = vector.shape_cast %get3A_587 : vector<1x1x16xf32> to vector<16xf32>
        %add3A_589 = arith.addf %get3A_588, %get3A_161 : vector<16xf32>
        %swap3A_590 = arith.constant 0 : i32
        %swap3A_591 = arith.index_cast %swap3A_590 : i32 to index
        %swap3A_592 = arith.index_cast %scan3A_498 : i32 to index
        %swap3A_593 = arith.constant 96 : index
        %swap3A_594 = tpu.vector_load %arg8[%swap3A_591, %swap3A_592, %swap3A_593] {strides = array<i32>} : memref<5x128x128xf32, #tpu.memory_space<vmem>>, vector<1x1x16xf32>,
        %swap3A_595 = vector.shape_cast %swap3A_594 : vector<1x1x16xf32> to vector<16xf32>
        %swap3A_596 = vector.shape_cast %add3A_589 : vector<16xf32> to vector<1x1x16xf32>
        tpu.vector_store %arg8[%swap3A_591, %swap3A_592, %swap3A_593], %swap3A_596 {strides = array<i32>} : memref<5x128x128xf32, #tpu.memory_space<vmem>>, vector<1x1x16xf32>,
        %get3A_597 = arith.constant 0 : i32
        %get3A_598 = arith.index_cast %get3A_597 : i32 to index
        %get3A_599 = arith.index_cast %scan3A_498 : i32 to index
        %get3A_600 = arith.constant 112 : index
        %get3A_601 = tpu.vector_load %arg8[%get3A_598, %get3A_599, %get3A_600] {strides = array<i32>} : memref<5x128x128xf32, #tpu.memory_space<vmem>>, vector<1x1x16xf32>,
        %get3A_602 = vector.shape_cast %get3A_601 : vector<1x1x16xf32> to vector<16xf32>
        %add3A_603 = arith.addf %get3A_602, %get3A_165 : vector<16xf32>
        %swap3A_604 = arith.constant 0 : i32
        %swap3A_605 = arith.index_cast %swap3A_604 : i32 to index
        %swap3A_606 = arith.index_cast %scan3A_498 : i32 to index
        %swap3A_607 = arith.constant 112 : index
        %swap3A_608 = tpu.vector_load %arg8[%swap3A_605, %swap3A_606, %swap3A_607] {strides = array<i32>} : memref<5x128x128xf32, #tpu.memory_space<vmem>>, vector<1x1x16xf32>,
        %swap3A_609 = vector.shape_cast %swap3A_608 : vector<1x1x16xf32> to vector<16xf32>
        %swap3A_610 = vector.shape_cast %add3A_603 : vector<16xf32> to vector<1x1x16xf32>
        tpu.vector_store %arg8[%swap3A_605, %swap3A_606, %swap3A_607], %swap3A_610 {strides = array<i32>} : memref<5x128x128xf32, #tpu.memory_space<vmem>>, vector<1x1x16xf32>,
        %scan3A_611 = arith.constant 0 : i32
        scf.yield %scan3A_611 : i32
      }
      %scan3A_172 = arith.constant 128 : i32
      %dma_start3A_173 = arith.constant 0 : i32
      %dma_start3A_174 = arith.constant 0 : i32
      %dma_start3A_175 = arith.constant 0 : i32
      %dma_start3A_176 = tpu.memref_slice %arg8[%dma_start3A_173, %dma_start3A_174, %dma_start3A_175] : memref<5x128x128xf32, #tpu.memory_space<vmem>> -> memref<1x128x128xf32, #tpu.memory_space<vmem>>
      %dma_start3A_177 = tpu.memref_squeeze %dma_start3A_176 : memref<1x128x128xf32, #tpu.memory_space<vmem>> -> memref<128x128xf32, #tpu.memory_space<vmem>>
      %dma_start3A_178 = arith.constant 0 : i32
      %dma_start3A_179 = tpu.memref_slice %arg5[%add3A_116, %mul3A_2, %dma_start3A_178] : memref<50x4096x128xf32, #tpu.memory_space<hbm>> -> memref<1x128x128xf32, #tpu.memory_space<hbm>>
      %dma_start3A_180 = tpu.memref_squeeze %dma_start3A_179 : memref<1x128x128xf32, #tpu.memory_space<hbm>> -> memref<128x128xf32, #tpu.memory_space<hbm>>
      %dma_start3A_181 = arith.constant 0 : i32
      %dma_start3A_182 = tpu.memref_slice %arg5[%add3A_116, %mul3A_2, %dma_start3A_181] : memref<50x4096x128xf32, #tpu.memory_space<hbm>> -> memref<1x128x128xf32, #tpu.memory_space<hbm>>
      %dma_start3A_183 = tpu.memref_squeeze %dma_start3A_182 : memref<1x128x128xf32, #tpu.memory_space<hbm>> -> memref<128x128xf32, #tpu.memory_space<hbm>>
      %dma_start3A_184 = arith.constant 0 : i32
      %dma_start3A_185 = arith.constant 0 : i32
      %dma_start3A_186 = tpu.memref_slice %arg8[%dma_start3A_173, %dma_start3A_184, %dma_start3A_185] : memref<5x128x128xf32, #tpu.memory_space<vmem>> -> memref<1x128x128xf32, #tpu.memory_space<vmem>>
      %dma_start3A_187 = tpu.memref_squeeze %dma_start3A_186 : memref<1x128x128xf32, #tpu.memory_space<vmem>> -> memref<128x128xf32, #tpu.memory_space<vmem>>
      tpu.enqueue_dma source(%dma_start3A_187 : memref<128x128xf32, #tpu.memory_space<vmem>>) target(%dma_start3A_183 : memref<128x128xf32, #tpu.memory_space<hbm>>) target_semaphore(%arg14 : memref<!tpu.dma_semaphore, #tpu.memory_space<semaphore_mem>>)
      %mul3A_188 = arith.constant 5 : i32
      %mul3A_189 = arith.muli %mul3A_188, %scan3A_111 : i32
      %add3A_190 = arith.constant 1 : i32
      %add3A_191 = arith.addi %mul3A_189, %add3A_190 : i32
      %gt3A_192 = arith.constant 0 : i32
      %gt3A_193 = arith.cmpi sgt, %scan3A_111, %gt3A_192 : i32
      %convert_element_type3A_194 = arith.extui %gt3A_193 : i1 to i32
      %cond3A_195 = arith.constant 0 : i32
      %cond3A_196 = arith.cmpi ne, %convert_element_type3A_194, %cond3A_195 : i32
      scf.if %cond3A_196 {
        %dma_wait3A_498 = arith.constant 3 : i32
        %dma_wait3A_499 = arith.constant 0 : i32
        %dma_wait3A_500 = arith.constant 0 : i32
        %dma_wait3A_501 = arith.constant 0 : i32
        %dma_wait3A_502 = tpu.memref_slice %arg8[%dma_wait3A_498, %dma_wait3A_500, %dma_wait3A_501] : memref<5x128x128xf32, #tpu.memory_space<vmem>> -> memref<1x128x128xf32, #tpu.memory_space<vmem>>
        %dma_wait3A_503 = tpu.memref_squeeze %dma_wait3A_502 : memref<1x128x128xf32, #tpu.memory_space<vmem>> -> memref<128x128xf32, #tpu.memory_space<vmem>>
        %dma_wait3A_504 = arith.constant 0 : i32
        %dma_wait3A_505 = tpu.memref_slice %arg5[%dma_wait3A_499, %mul3A_2, %dma_wait3A_504] : memref<50x4096x128xf32, #tpu.memory_space<hbm>> -> memref<1x128x128xf32, #tpu.memory_space<hbm>>
        %dma_wait3A_506 = tpu.memref_squeeze %dma_wait3A_505 : memref<1x128x128xf32, #tpu.memory_space<hbm>> -> memref<128x128xf32, #tpu.memory_space<hbm>>
        %dma_wait3A_507 = arith.constant 0 : i32
        %dma_wait3A_508 = tpu.memref_slice %arg5[%dma_wait3A_499, %mul3A_2, %dma_wait3A_507] : memref<50x4096x128xf32, #tpu.memory_space<hbm>> -> memref<1x128x128xf32, #tpu.memory_space<hbm>>
        %dma_wait3A_509 = tpu.memref_squeeze %dma_wait3A_508 : memref<1x128x128xf32, #tpu.memory_space<hbm>> -> memref<128x128xf32, #tpu.memory_space<hbm>>
        %dma_wait3A_510 = arith.constant 0 : i32
        %dma_wait3A_511 = arith.constant 0 : i32
        %dma_wait3A_512 = tpu.memref_slice %arg8[%dma_wait3A_498, %dma_wait3A_510, %dma_wait3A_511] : memref<5x128x128xf32, #tpu.memory_space<vmem>> -> memref<1x128x128xf32, #tpu.memory_space<vmem>>
        %dma_wait3A_513 = tpu.memref_squeeze %dma_wait3A_512 : memref<1x128x128xf32, #tpu.memory_space<vmem>> -> memref<128x128xf32, #tpu.memory_space<vmem>>
        tpu.wait_dma2 semaphore(%arg17 : memref<!tpu.dma_semaphore, #tpu.memory_space<semaphore_mem>>) src(%dma_wait3A_513 : memref<128x128xf32, #tpu.memory_space<vmem>>) dst(%dma_wait3A_509 : memref<128x128xf32, #tpu.memory_space<hbm>>)
        %add3A_514 = arith.constant 2 : i32
        %add3A_515 = arith.addi %add3A_191, %add3A_514 : i32
        %dma_start3A_516 = arith.constant 3 : i32
        %dma_start3A_517 = arith.constant 0 : i32
        %dma_start3A_518 = arith.constant 0 : i32
        %dma_start3A_519 = tpu.memref_slice %arg8[%dma_start3A_516, %dma_start3A_517, %dma_start3A_518] : memref<5x128x128xf32, #tpu.memory_space<vmem>> -> memref<1x128x128xf32, #tpu.memory_space<vmem>>
        %dma_start3A_520 = tpu.memref_squeeze %dma_start3A_519 : memref<1x128x128xf32, #tpu.memory_space<vmem>> -> memref<128x128xf32, #tpu.memory_space<vmem>>
        %dma_start3A_521 = arith.constant 0 : i32
        %dma_start3A_522 = tpu.memref_slice %arg6[%add3A_515, %dma_start3A_521] : memref<50x128xi32, #tpu.memory_space<vmem>> -> memref<1x128xi32, #tpu.memory_space<vmem>>
        %dma_start3A_523 = tpu.memref_squeeze %dma_start3A_522 : memref<1x128xi32, #tpu.memory_space<vmem>> -> memref<128xi32, #tpu.memory_space<vmem>>
        %dma_start3A_524 = arith.constant 0 : i32
        %dma_start3A_525 = arith.constant 0 : i32
        %dma_start3A_526 = tpu.memref_slice %arg3[%dma_start3A_524, %dma_start3A_525] : memref<100000x128xf32, #tpu.memory_space<hbm>> -> memref<100000x128xf32, #tpu.memory_space<hbm>>
        tpu.enqueue_indirect_dma source(%dma_start3A_526 : memref<100000x128xf32, #tpu.memory_space<hbm>>) target(%dma_start3A_520 : memref<128x128xf32, #tpu.memory_space<vmem>>) offsets(%dma_start3A_523 : memref<128xi32, #tpu.memory_space<vmem>>) semaphore(%arg12 : memref<!tpu.dma_semaphore, #tpu.memory_space<semaphore_mem>>)
      } else {
      }
      %eq3A_197 = arith.constant 0 : i32
      %eq3A_198 = arith.cmpi eq, %scan3A_111, %eq3A_197 : i32
      %convert_element_type3A_199 = arith.extui %eq3A_198 : i1 to i32
      %cond3A_200 = arith.constant 0 : i32
      %cond3A_201 = arith.cmpi ne, %convert_element_type3A_199, %cond3A_200 : i32
      scf.if %cond3A_201 {
        %add3A_498 = arith.constant 2 : i32
        %add3A_499 = arith.addi %add3A_191, %add3A_498 : i32
        %dma_start3A_500 = arith.constant 3 : i32
        %dma_start3A_501 = arith.constant 0 : i32
        %dma_start3A_502 = arith.constant 0 : i32
        %dma_start3A_503 = tpu.memref_slice %arg8[%dma_start3A_500, %dma_start3A_501, %dma_start3A_502] : memref<5x128x128xf32, #tpu.memory_space<vmem>> -> memref<1x128x128xf32, #tpu.memory_space<vmem>>
        %dma_start3A_504 = tpu.memref_squeeze %dma_start3A_503 : memref<1x128x128xf32, #tpu.memory_space<vmem>> -> memref<128x128xf32, #tpu.memory_space<vmem>>
        %dma_start3A_505 = arith.constant 0 : i32
        %dma_start3A_506 = tpu.memref_slice %arg6[%add3A_499, %dma_start3A_505] : memref<50x128xi32, #tpu.memory_space<vmem>> -> memref<1x128xi32, #tpu.memory_space<vmem>>
        %dma_start3A_507 = tpu.memref_squeeze %dma_start3A_506 : memref<1x128xi32, #tpu.memory_space<vmem>> -> memref<128xi32, #tpu.memory_space<vmem>>
        %dma_start3A_508 = arith.constant 0 : i32
        %dma_start3A_509 = arith.constant 0 : i32
        %dma_start3A_510 = tpu.memref_slice %arg3[%dma_start3A_508, %dma_start3A_509] : memref<100000x128xf32, #tpu.memory_space<hbm>> -> memref<100000x128xf32, #tpu.memory_space<hbm>>
        tpu.enqueue_indirect_dma source(%dma_start3A_510 : memref<100000x128xf32, #tpu.memory_space<hbm>>) target(%dma_start3A_504 : memref<128x128xf32, #tpu.memory_space<vmem>>) offsets(%dma_start3A_507 : memref<128xi32, #tpu.memory_space<vmem>>) semaphore(%arg12 : memref<!tpu.dma_semaphore, #tpu.memory_space<semaphore_mem>>)
      } else {
      }
      %dma_wait3A_202 = arith.constant 0 : i32
      %dma_wait3A_203 = arith.constant 1 : i32
      %dma_wait3A_204 = arith.constant 0 : i32
      %dma_wait3A_205 = arith.constant 0 : i32
      %dma_wait3A_206 = tpu.memref_slice %arg8[%dma_wait3A_203, %dma_wait3A_204, %dma_wait3A_205] : memref<5x128x128xf32, #tpu.memory_space<vmem>> -> memref<1x128x128xf32, #tpu.memory_space<vmem>>
      %dma_wait3A_207 = tpu.memref_squeeze %dma_wait3A_206 : memref<1x128x128xf32, #tpu.memory_space<vmem>> -> memref<128x128xf32, #tpu.memory_space<vmem>>
      %dma_wait3A_208 = arith.constant 0 : i32
      %dma_wait3A_209 = tpu.memref_slice %arg6[%dma_wait3A_202, %dma_wait3A_208] : memref<50x128xi32, #tpu.memory_space<vmem>> -> memref<1x128xi32, #tpu.memory_space<vmem>>
      %dma_wait3A_210 = tpu.memref_squeeze %dma_wait3A_209 : memref<1x128xi32, #tpu.memory_space<vmem>> -> memref<128xi32, #tpu.memory_space<vmem>>
      %dma_wait3A_211 = arith.constant 0 : i32
      %dma_wait3A_212 = arith.constant 0 : i32
      %dma_wait3A_213 = tpu.memref_slice %arg3[%dma_wait3A_211, %dma_wait3A_212] : memref<100000x128xf32, #tpu.memory_space<hbm>> -> memref<100000x128xf32, #tpu.memory_space<hbm>>
      tpu.wait_indirect_dma semaphore(%arg10 : memref<!tpu.dma_semaphore, #tpu.memory_space<semaphore_mem>>) src(%dma_wait3A_213 : memref<100000x128xf32, #tpu.memory_space<hbm>>) dst(%dma_wait3A_207 : memref<128x128xf32, #tpu.memory_space<vmem>>)
      %get3A_214 = arith.index_cast %add3A_191 : i32 to index
      %get3A_215 = arith.constant 0 : index
      %get3A_216 = tpu.vector_load %arg7[%get3A_214, %get3A_215] {strides = array<i32>} : memref<56x128xf32, #tpu.memory_space<vmem>>, vector<1x16xf32>,
      %get3A_217 = vector.shape_cast %get3A_216 : vector<1x16xf32> to vector<16xf32>
      %get3A_218 = arith.index_cast %add3A_191 : i32 to index
      %get3A_219 = arith.constant 16 : index
      %get3A_220 = tpu.vector_load %arg7[%get3A_218, %get3A_219] {strides = array<i32>} : memref<56x128xf32, #tpu.memory_space<vmem>>, vector<1x16xf32>,
      %get3A_221 = vector.shape_cast %get3A_220 : vector<1x16xf32> to vector<16xf32>
      %get3A_222 = arith.index_cast %add3A_191 : i32 to index
      %get3A_223 = arith.constant 32 : index
      %get3A_224 = tpu.vector_load %arg7[%get3A_222, %get3A_223] {strides = array<i32>} : memref<56x128xf32, #tpu.memory_space<vmem>>, vector<1x16xf32>,
      %get3A_225 = vector.shape_cast %get3A_224 : vector<1x16xf32> to vector<16xf32>
      %get3A_226 = arith.index_cast %add3A_191 : i32 to index
      %get3A_227 = arith.constant 48 : index
      %get3A_228 = tpu.vector_load %arg7[%get3A_226, %get3A_227] {strides = array<i32>} : memref<56x128xf32, #tpu.memory_space<vmem>>, vector<1x16xf32>,
      %get3A_229 = vector.shape_cast %get3A_228 : vector<1x16xf32> to vector<16xf32>
      %get3A_230 = arith.index_cast %add3A_191 : i32 to index
      %get3A_231 = arith.constant 64 : index
      %get3A_232 = tpu.vector_load %arg7[%get3A_230, %get3A_231] {strides = array<i32>} : memref<56x128xf32, #tpu.memory_space<vmem>>, vector<1x16xf32>,
      %get3A_233 = vector.shape_cast %get3A_232 : vector<1x16xf32> to vector<16xf32>
      %get3A_234 = arith.index_cast %add3A_191 : i32 to index
      %get3A_235 = arith.constant 80 : index
      %get3A_236 = tpu.vector_load %arg7[%get3A_234, %get3A_235] {strides = array<i32>} : memref<56x128xf32, #tpu.memory_space<vmem>>, vector<1x16xf32>,
      %get3A_237 = vector.shape_cast %get3A_236 : vector<1x16xf32> to vector<16xf32>
      %get3A_238 = arith.index_cast %add3A_191 : i32 to index
      %get3A_239 = arith.constant 96 : index
      %get3A_240 = tpu.vector_load %arg7[%get3A_238, %get3A_239] {strides = array<i32>} : memref<56x128xf32, #tpu.memory_space<vmem>>, vector<1x16xf32>,
      %get3A_241 = vector.shape_cast %get3A_240 : vector<1x16xf32> to vector<16xf32>
      %get3A_242 = arith.index_cast %add3A_191 : i32 to index
      %get3A_243 = arith.constant 112 : index
      %get3A_244 = tpu.vector_load %arg7[%get3A_242, %get3A_243] {strides = array<i32>} : memref<56x128xf32, #tpu.memory_space<vmem>>, vector<1x16xf32>,
      %get3A_245 = vector.shape_cast %get3A_244 : vector<1x16xf32> to vector<16xf32>
      %scan3A_246 = arith.constant 0 : i32
      %scan3A_247 = arith.constant 0 : i32
      %scan3A_248 = arith.constant 128 : i32
      %scan3A_249 = arith.addi %scan3A_247, %scan3A_248 : i32
      %scan3A_250 = arith.constant 1 : i32
      %scan3A_251 = scf.for %scan3A_498 = %scan3A_247 to %scan3A_249 step %scan3A_250 iter_args(%scan3A_499 = %scan3A_246) -> (i32)  : i32 {
        %get3A_500 = arith.constant 1 : i32
        %get3A_501 = arith.index_cast %get3A_500 : i32 to index
        %get3A_502 = arith.index_cast %scan3A_498 : i32 to index
        %get3A_503 = arith.constant 0 : index
        %get3A_504 = tpu.vector_load %arg8[%get3A_501, %get3A_502, %get3A_503] {strides = array<i32>} : memref<5x128x128xf32, #tpu.memory_space<vmem>>, vector<1x1x16xf32>,
        %get3A_505 = vector.shape_cast %get3A_504 : vector<1x1x16xf32> to vector<16xf32>
        %add3A_506 = arith.addf %get3A_505, %get3A_217 : vector<16xf32>
        %swap3A = arith.constant 1 : i32
        %swap3A_507 = arith.index_cast %swap3A : i32 to index
        %swap3A_508 = arith.index_cast %scan3A_498 : i32 to index
        %swap3A_509 = arith.constant 0 : index
        %swap3A_510 = tpu.vector_load %arg8[%swap3A_507, %swap3A_508, %swap3A_509] {strides = array<i32>} : memref<5x128x128xf32, #tpu.memory_space<vmem>>, vector<1x1x16xf32>,
        %swap3A_511 = vector.shape_cast %swap3A_510 : vector<1x1x16xf32> to vector<16xf32>
        %swap3A_512 = vector.shape_cast %add3A_506 : vector<16xf32> to vector<1x1x16xf32>
        tpu.vector_store %arg8[%swap3A_507, %swap3A_508, %swap3A_509], %swap3A_512 {strides = array<i32>} : memref<5x128x128xf32, #tpu.memory_space<vmem>>, vector<1x1x16xf32>,
        %get3A_513 = arith.constant 1 : i32
        %get3A_514 = arith.index_cast %get3A_513 : i32 to index
        %get3A_515 = arith.index_cast %scan3A_498 : i32 to index
        %get3A_516 = arith.constant 16 : index
        %get3A_517 = tpu.vector_load %arg8[%get3A_514, %get3A_515, %get3A_516] {strides = array<i32>} : memref<5x128x128xf32, #tpu.memory_space<vmem>>, vector<1x1x16xf32>,
        %get3A_518 = vector.shape_cast %get3A_517 : vector<1x1x16xf32> to vector<16xf32>
        %add3A_519 = arith.addf %get3A_518, %get3A_221 : vector<16xf32>
        %swap3A_520 = arith.constant 1 : i32
        %swap3A_521 = arith.index_cast %swap3A_520 : i32 to index
        %swap3A_522 = arith.index_cast %scan3A_498 : i32 to index
        %swap3A_523 = arith.constant 16 : index
        %swap3A_524 = tpu.vector_load %arg8[%swap3A_521, %swap3A_522, %swap3A_523] {strides = array<i32>} : memref<5x128x128xf32, #tpu.memory_space<vmem>>, vector<1x1x16xf32>,
        %swap3A_525 = vector.shape_cast %swap3A_524 : vector<1x1x16xf32> to vector<16xf32>
        %swap3A_526 = vector.shape_cast %add3A_519 : vector<16xf32> to vector<1x1x16xf32>
        tpu.vector_store %arg8[%swap3A_521, %swap3A_522, %swap3A_523], %swap3A_526 {strides = array<i32>} : memref<5x128x128xf32, #tpu.memory_space<vmem>>, vector<1x1x16xf32>,
        %get3A_527 = arith.constant 1 : i32
        %get3A_528 = arith.index_cast %get3A_527 : i32 to index
        %get3A_529 = arith.index_cast %scan3A_498 : i32 to index
        %get3A_530 = arith.constant 32 : index
        %get3A_531 = tpu.vector_load %arg8[%get3A_528, %get3A_529, %get3A_530] {strides = array<i32>} : memref<5x128x128xf32, #tpu.memory_space<vmem>>, vector<1x1x16xf32>,
        %get3A_532 = vector.shape_cast %get3A_531 : vector<1x1x16xf32> to vector<16xf32>
        %add3A_533 = arith.addf %get3A_532, %get3A_225 : vector<16xf32>
        %swap3A_534 = arith.constant 1 : i32
        %swap3A_535 = arith.index_cast %swap3A_534 : i32 to index
        %swap3A_536 = arith.index_cast %scan3A_498 : i32 to index
        %swap3A_537 = arith.constant 32 : index
        %swap3A_538 = tpu.vector_load %arg8[%swap3A_535, %swap3A_536, %swap3A_537] {strides = array<i32>} : memref<5x128x128xf32, #tpu.memory_space<vmem>>, vector<1x1x16xf32>,
        %swap3A_539 = vector.shape_cast %swap3A_538 : vector<1x1x16xf32> to vector<16xf32>
        %swap3A_540 = vector.shape_cast %add3A_533 : vector<16xf32> to vector<1x1x16xf32>
        tpu.vector_store %arg8[%swap3A_535, %swap3A_536, %swap3A_537], %swap3A_540 {strides = array<i32>} : memref<5x128x128xf32, #tpu.memory_space<vmem>>, vector<1x1x16xf32>,
        %get3A_541 = arith.constant 1 : i32
        %get3A_542 = arith.index_cast %get3A_541 : i32 to index
        %get3A_543 = arith.index_cast %scan3A_498 : i32 to index
        %get3A_544 = arith.constant 48 : index
        %get3A_545 = tpu.vector_load %arg8[%get3A_542, %get3A_543, %get3A_544] {strides = array<i32>} : memref<5x128x128xf32, #tpu.memory_space<vmem>>, vector<1x1x16xf32>,
        %get3A_546 = vector.shape_cast %get3A_545 : vector<1x1x16xf32> to vector<16xf32>
        %add3A_547 = arith.addf %get3A_546, %get3A_229 : vector<16xf32>
        %swap3A_548 = arith.constant 1 : i32
        %swap3A_549 = arith.index_cast %swap3A_548 : i32 to index
        %swap3A_550 = arith.index_cast %scan3A_498 : i32 to index
        %swap3A_551 = arith.constant 48 : index
        %swap3A_552 = tpu.vector_load %arg8[%swap3A_549, %swap3A_550, %swap3A_551] {strides = array<i32>} : memref<5x128x128xf32, #tpu.memory_space<vmem>>, vector<1x1x16xf32>,
        %swap3A_553 = vector.shape_cast %swap3A_552 : vector<1x1x16xf32> to vector<16xf32>
        %swap3A_554 = vector.shape_cast %add3A_547 : vector<16xf32> to vector<1x1x16xf32>
        tpu.vector_store %arg8[%swap3A_549, %swap3A_550, %swap3A_551], %swap3A_554 {strides = array<i32>} : memref<5x128x128xf32, #tpu.memory_space<vmem>>, vector<1x1x16xf32>,
        %get3A_555 = arith.constant 1 : i32
        %get3A_556 = arith.index_cast %get3A_555 : i32 to index
        %get3A_557 = arith.index_cast %scan3A_498 : i32 to index
        %get3A_558 = arith.constant 64 : index
        %get3A_559 = tpu.vector_load %arg8[%get3A_556, %get3A_557, %get3A_558] {strides = array<i32>} : memref<5x128x128xf32, #tpu.memory_space<vmem>>, vector<1x1x16xf32>,
        %get3A_560 = vector.shape_cast %get3A_559 : vector<1x1x16xf32> to vector<16xf32>
        %add3A_561 = arith.addf %get3A_560, %get3A_233 : vector<16xf32>
        %swap3A_562 = arith.constant 1 : i32
        %swap3A_563 = arith.index_cast %swap3A_562 : i32 to index
        %swap3A_564 = arith.index_cast %scan3A_498 : i32 to index
        %swap3A_565 = arith.constant 64 : index
        %swap3A_566 = tpu.vector_load %arg8[%swap3A_563, %swap3A_564, %swap3A_565] {strides = array<i32>} : memref<5x128x128xf32, #tpu.memory_space<vmem>>, vector<1x1x16xf32>,
        %swap3A_567 = vector.shape_cast %swap3A_566 : vector<1x1x16xf32> to vector<16xf32>
        %swap3A_568 = vector.shape_cast %add3A_561 : vector<16xf32> to vector<1x1x16xf32>
        tpu.vector_store %arg8[%swap3A_563, %swap3A_564, %swap3A_565], %swap3A_568 {strides = array<i32>} : memref<5x128x128xf32, #tpu.memory_space<vmem>>, vector<1x1x16xf32>,
        %get3A_569 = arith.constant 1 : i32
        %get3A_570 = arith.index_cast %get3A_569 : i32 to index
        %get3A_571 = arith.index_cast %scan3A_498 : i32 to index
        %get3A_572 = arith.constant 80 : index
        %get3A_573 = tpu.vector_load %arg8[%get3A_570, %get3A_571, %get3A_572] {strides = array<i32>} : memref<5x128x128xf32, #tpu.memory_space<vmem>>, vector<1x1x16xf32>,
        %get3A_574 = vector.shape_cast %get3A_573 : vector<1x1x16xf32> to vector<16xf32>
        %add3A_575 = arith.addf %get3A_574, %get3A_237 : vector<16xf32>
        %swap3A_576 = arith.constant 1 : i32
        %swap3A_577 = arith.index_cast %swap3A_576 : i32 to index
        %swap3A_578 = arith.index_cast %scan3A_498 : i32 to index
        %swap3A_579 = arith.constant 80 : index
        %swap3A_580 = tpu.vector_load %arg8[%swap3A_577, %swap3A_578, %swap3A_579] {strides = array<i32>} : memref<5x128x128xf32, #tpu.memory_space<vmem>>, vector<1x1x16xf32>,
        %swap3A_581 = vector.shape_cast %swap3A_580 : vector<1x1x16xf32> to vector<16xf32>
        %swap3A_582 = vector.shape_cast %add3A_575 : vector<16xf32> to vector<1x1x16xf32>
        tpu.vector_store %arg8[%swap3A_577, %swap3A_578, %swap3A_579], %swap3A_582 {strides = array<i32>} : memref<5x128x128xf32, #tpu.memory_space<vmem>>, vector<1x1x16xf32>,
        %get3A_583 = arith.constant 1 : i32
        %get3A_584 = arith.index_cast %get3A_583 : i32 to index
        %get3A_585 = arith.index_cast %scan3A_498 : i32 to index
        %get3A_586 = arith.constant 96 : index
        %get3A_587 = tpu.vector_load %arg8[%get3A_584, %get3A_585, %get3A_586] {strides = array<i32>} : memref<5x128x128xf32, #tpu.memory_space<vmem>>, vector<1x1x16xf32>,
        %get3A_588 = vector.shape_cast %get3A_587 : vector<1x1x16xf32> to vector<16xf32>
        %add3A_589 = arith.addf %get3A_588, %get3A_241 : vector<16xf32>
        %swap3A_590 = arith.constant 1 : i32
        %swap3A_591 = arith.index_cast %swap3A_590 : i32 to index
        %swap3A_592 = arith.index_cast %scan3A_498 : i32 to index
        %swap3A_593 = arith.constant 96 : index
        %swap3A_594 = tpu.vector_load %arg8[%swap3A_591, %swap3A_592, %swap3A_593] {strides = array<i32>} : memref<5x128x128xf32, #tpu.memory_space<vmem>>, vector<1x1x16xf32>,
        %swap3A_595 = vector.shape_cast %swap3A_594 : vector<1x1x16xf32> to vector<16xf32>
        %swap3A_596 = vector.shape_cast %add3A_589 : vector<16xf32> to vector<1x1x16xf32>
        tpu.vector_store %arg8[%swap3A_591, %swap3A_592, %swap3A_593], %swap3A_596 {strides = array<i32>} : memref<5x128x128xf32, #tpu.memory_space<vmem>>, vector<1x1x16xf32>,
        %get3A_597 = arith.constant 1 : i32
        %get3A_598 = arith.index_cast %get3A_597 : i32 to index
        %get3A_599 = arith.index_cast %scan3A_498 : i32 to index
        %get3A_600 = arith.constant 112 : index
        %get3A_601 = tpu.vector_load %arg8[%get3A_598, %get3A_599, %get3A_600] {strides = array<i32>} : memref<5x128x128xf32, #tpu.memory_space<vmem>>, vector<1x1x16xf32>,
        %get3A_602 = vector.shape_cast %get3A_601 : vector<1x1x16xf32> to vector<16xf32>
        %add3A_603 = arith.addf %get3A_602, %get3A_245 : vector<16xf32>
        %swap3A_604 = arith.constant 1 : i32
        %swap3A_605 = arith.index_cast %swap3A_604 : i32 to index
        %swap3A_606 = arith.index_cast %scan3A_498 : i32 to index
        %swap3A_607 = arith.constant 112 : index
        %swap3A_608 = tpu.vector_load %arg8[%swap3A_605, %swap3A_606, %swap3A_607] {strides = array<i32>} : memref<5x128x128xf32, #tpu.memory_space<vmem>>, vector<1x1x16xf32>,
        %swap3A_609 = vector.shape_cast %swap3A_608 : vector<1x1x16xf32> to vector<16xf32>
        %swap3A_610 = vector.shape_cast %add3A_603 : vector<16xf32> to vector<1x1x16xf32>
        tpu.vector_store %arg8[%swap3A_605, %swap3A_606, %swap3A_607], %swap3A_610 {strides = array<i32>} : memref<5x128x128xf32, #tpu.memory_space<vmem>>, vector<1x1x16xf32>,
        %scan3A_611 = arith.constant 0 : i32
        scf.yield %scan3A_611 : i32
      }
      %scan3A_252 = arith.constant 128 : i32
      %dma_start3A_253 = arith.constant 1 : i32
      %dma_start3A_254 = arith.constant 0 : i32
      %dma_start3A_255 = arith.constant 0 : i32
      %dma_start3A_256 = tpu.memref_slice %arg8[%dma_start3A_253, %dma_start3A_254, %dma_start3A_255] : memref<5x128x128xf32, #tpu.memory_space<vmem>> -> memref<1x128x128xf32, #tpu.memory_space<vmem>>
      %dma_start3A_257 = tpu.memref_squeeze %dma_start3A_256 : memref<1x128x128xf32, #tpu.memory_space<vmem>> -> memref<128x128xf32, #tpu.memory_space<vmem>>
      %dma_start3A_258 = arith.constant 0 : i32
      %dma_start3A_259 = tpu.memref_slice %arg5[%add3A_191, %mul3A_2, %dma_start3A_258] : memref<50x4096x128xf32, #tpu.memory_space<hbm>> -> memref<1x128x128xf32, #tpu.memory_space<hbm>>
      %dma_start3A_260 = tpu.memref_squeeze %dma_start3A_259 : memref<1x128x128xf32, #tpu.memory_space<hbm>> -> memref<128x128xf32, #tpu.memory_space<hbm>>
      %dma_start3A_261 = arith.constant 0 : i32
      %dma_start3A_262 = tpu.memref_slice %arg5[%add3A_191, %mul3A_2, %dma_start3A_261] : memref<50x4096x128xf32, #tpu.memory_space<hbm>> -> memref<1x128x128xf32, #tpu.memory_space<hbm>>
      %dma_start3A_263 = tpu.memref_squeeze %dma_start3A_262 : memref<1x128x128xf32, #tpu.memory_space<hbm>> -> memref<128x128xf32, #tpu.memory_space<hbm>>
      %dma_start3A_264 = arith.constant 0 : i32
      %dma_start3A_265 = arith.constant 0 : i32
      %dma_start3A_266 = tpu.memref_slice %arg8[%dma_start3A_253, %dma_start3A_264, %dma_start3A_265] : memref<5x128x128xf32, #tpu.memory_space<vmem>> -> memref<1x128x128xf32, #tpu.memory_space<vmem>>
      %dma_start3A_267 = tpu.memref_squeeze %dma_start3A_266 : memref<1x128x128xf32, #tpu.memory_space<vmem>> -> memref<128x128xf32, #tpu.memory_space<vmem>>
      tpu.enqueue_dma source(%dma_start3A_267 : memref<128x128xf32, #tpu.memory_space<vmem>>) target(%dma_start3A_263 : memref<128x128xf32, #tpu.memory_space<hbm>>) target_semaphore(%arg15 : memref<!tpu.dma_semaphore, #tpu.memory_space<semaphore_mem>>)
      %mul3A_268 = arith.constant 5 : i32
      %mul3A_269 = arith.muli %mul3A_268, %scan3A_111 : i32
      %add3A_270 = arith.constant 2 : i32
      %add3A_271 = arith.addi %mul3A_269, %add3A_270 : i32
      %gt3A_272 = arith.constant 0 : i32
      %gt3A_273 = arith.cmpi sgt, %scan3A_111, %gt3A_272 : i32
      %convert_element_type3A_274 = arith.extui %gt3A_273 : i1 to i32
      %cond3A_275 = arith.constant 0 : i32
      %cond3A_276 = arith.cmpi ne, %convert_element_type3A_274, %cond3A_275 : i32
      scf.if %cond3A_276 {
        %dma_wait3A_498 = arith.constant 4 : i32
        %dma_wait3A_499 = arith.constant 0 : i32
        %dma_wait3A_500 = arith.constant 0 : i32
        %dma_wait3A_501 = arith.constant 0 : i32
        %dma_wait3A_502 = tpu.memref_slice %arg8[%dma_wait3A_498, %dma_wait3A_500, %dma_wait3A_501] : memref<5x128x128xf32, #tpu.memory_space<vmem>> -> memref<1x128x128xf32, #tpu.memory_space<vmem>>
        %dma_wait3A_503 = tpu.memref_squeeze %dma_wait3A_502 : memref<1x128x128xf32, #tpu.memory_space<vmem>> -> memref<128x128xf32, #tpu.memory_space<vmem>>
        %dma_wait3A_504 = arith.constant 0 : i32
        %dma_wait3A_505 = tpu.memref_slice %arg5[%dma_wait3A_499, %mul3A_2, %dma_wait3A_504] : memref<50x4096x128xf32, #tpu.memory_space<hbm>> -> memref<1x128x128xf32, #tpu.memory_space<hbm>>
        %dma_wait3A_506 = tpu.memref_squeeze %dma_wait3A_505 : memref<1x128x128xf32, #tpu.memory_space<hbm>> -> memref<128x128xf32, #tpu.memory_space<hbm>>
        %dma_wait3A_507 = arith.constant 0 : i32
        %dma_wait3A_508 = tpu.memref_slice %arg5[%dma_wait3A_499, %mul3A_2, %dma_wait3A_507] : memref<50x4096x128xf32, #tpu.memory_space<hbm>> -> memref<1x128x128xf32, #tpu.memory_space<hbm>>
        %dma_wait3A_509 = tpu.memref_squeeze %dma_wait3A_508 : memref<1x128x128xf32, #tpu.memory_space<hbm>> -> memref<128x128xf32, #tpu.memory_space<hbm>>
        %dma_wait3A_510 = arith.constant 0 : i32
        %dma_wait3A_511 = arith.constant 0 : i32
        %dma_wait3A_512 = tpu.memref_slice %arg8[%dma_wait3A_498, %dma_wait3A_510, %dma_wait3A_511] : memref<5x128x128xf32, #tpu.memory_space<vmem>> -> memref<1x128x128xf32, #tpu.memory_space<vmem>>
        %dma_wait3A_513 = tpu.memref_squeeze %dma_wait3A_512 : memref<1x128x128xf32, #tpu.memory_space<vmem>> -> memref<128x128xf32, #tpu.memory_space<vmem>>
        tpu.wait_dma2 semaphore(%arg18 : memref<!tpu.dma_semaphore, #tpu.memory_space<semaphore_mem>>) src(%dma_wait3A_513 : memref<128x128xf32, #tpu.memory_space<vmem>>) dst(%dma_wait3A_509 : memref<128x128xf32, #tpu.memory_space<hbm>>)
        %add3A_514 = arith.constant 2 : i32
        %add3A_515 = arith.addi %add3A_271, %add3A_514 : i32
        %dma_start3A_516 = arith.constant 4 : i32
        %dma_start3A_517 = arith.constant 0 : i32
        %dma_start3A_518 = arith.constant 0 : i32
        %dma_start3A_519 = tpu.memref_slice %arg8[%dma_start3A_516, %dma_start3A_517, %dma_start3A_518] : memref<5x128x128xf32, #tpu.memory_space<vmem>> -> memref<1x128x128xf32, #tpu.memory_space<vmem>>
        %dma_start3A_520 = tpu.memref_squeeze %dma_start3A_519 : memref<1x128x128xf32, #tpu.memory_space<vmem>> -> memref<128x128xf32, #tpu.memory_space<vmem>>
        %dma_start3A_521 = arith.constant 0 : i32
        %dma_start3A_522 = tpu.memref_slice %arg6[%add3A_515, %dma_start3A_521] : memref<50x128xi32, #tpu.memory_space<vmem>> -> memref<1x128xi32, #tpu.memory_space<vmem>>
        %dma_start3A_523 = tpu.memref_squeeze %dma_start3A_522 : memref<1x128xi32, #tpu.memory_space<vmem>> -> memref<128xi32, #tpu.memory_space<vmem>>
        %dma_start3A_524 = arith.constant 0 : i32
        %dma_start3A_525 = arith.constant 0 : i32
        %dma_start3A_526 = tpu.memref_slice %arg3[%dma_start3A_524, %dma_start3A_525] : memref<100000x128xf32, #tpu.memory_space<hbm>> -> memref<100000x128xf32, #tpu.memory_space<hbm>>
        tpu.enqueue_indirect_dma source(%dma_start3A_526 : memref<100000x128xf32, #tpu.memory_space<hbm>>) target(%dma_start3A_520 : memref<128x128xf32, #tpu.memory_space<vmem>>) offsets(%dma_start3A_523 : memref<128xi32, #tpu.memory_space<vmem>>) semaphore(%arg13 : memref<!tpu.dma_semaphore, #tpu.memory_space<semaphore_mem>>)
      } else {
      }
      %eq3A_277 = arith.constant 0 : i32
      %eq3A_278 = arith.cmpi eq, %scan3A_111, %eq3A_277 : i32
      %convert_element_type3A_279 = arith.extui %eq3A_278 : i1 to i32
      %cond3A_280 = arith.constant 0 : i32
      %cond3A_281 = arith.cmpi ne, %convert_element_type3A_279, %cond3A_280 : i32
      scf.if %cond3A_281 {
        %add3A_498 = arith.constant 2 : i32
        %add3A_499 = arith.addi %add3A_271, %add3A_498 : i32
        %dma_start3A_500 = arith.constant 4 : i32
        %dma_start3A_501 = arith.constant 0 : i32
        %dma_start3A_502 = arith.constant 0 : i32
        %dma_start3A_503 = tpu.memref_slice %arg8[%dma_start3A_500, %dma_start3A_501, %dma_start3A_502] : memref<5x128x128xf32, #tpu.memory_space<vmem>> -> memref<1x128x128xf32, #tpu.memory_space<vmem>>
        %dma_start3A_504 = tpu.memref_squeeze %dma_start3A_503 : memref<1x128x128xf32, #tpu.memory_space<vmem>> -> memref<128x128xf32, #tpu.memory_space<vmem>>
        %dma_start3A_505 = arith.constant 0 : i32
        %dma_start3A_506 = tpu.memref_slice %arg6[%add3A_499, %dma_start3A_505] : memref<50x128xi32, #tpu.memory_space<vmem>> -> memref<1x128xi32, #tpu.memory_space<vmem>>
        %dma_start3A_507 = tpu.memref_squeeze %dma_start3A_506 : memref<1x128xi32, #tpu.memory_space<vmem>> -> memref<128xi32, #tpu.memory_space<vmem>>
        %dma_start3A_508 = arith.constant 0 : i32
        %dma_start3A_509 = arith.constant 0 : i32
        %dma_start3A_510 = tpu.memref_slice %arg3[%dma_start3A_508, %dma_start3A_509] : memref<100000x128xf32, #tpu.memory_space<hbm>> -> memref<100000x128xf32, #tpu.memory_space<hbm>>
        tpu.enqueue_indirect_dma source(%dma_start3A_510 : memref<100000x128xf32, #tpu.memory_space<hbm>>) target(%dma_start3A_504 : memref<128x128xf32, #tpu.memory_space<vmem>>) offsets(%dma_start3A_507 : memref<128xi32, #tpu.memory_space<vmem>>) semaphore(%arg13 : memref<!tpu.dma_semaphore, #tpu.memory_space<semaphore_mem>>)
      } else {
      }
      %dma_wait3A_282 = arith.constant 0 : i32
      %dma_wait3A_283 = arith.constant 2 : i32
      %dma_wait3A_284 = arith.constant 0 : i32
      %dma_wait3A_285 = arith.constant 0 : i32
      %dma_wait3A_286 = tpu.memref_slice %arg8[%dma_wait3A_283, %dma_wait3A_284, %dma_wait3A_285] : memref<5x128x128xf32, #tpu.memory_space<vmem>> -> memref<1x128x128xf32, #tpu.memory_space<vmem>>
      %dma_wait3A_287 = tpu.memref_squeeze %dma_wait3A_286 : memref<1x128x128xf32, #tpu.memory_space<vmem>> -> memref<128x128xf32, #tpu.memory_space<vmem>>
      %dma_wait3A_288 = arith.constant 0 : i32
      %dma_wait3A_289 = tpu.memref_slice %arg6[%dma_wait3A_282, %dma_wait3A_288] : memref<50x128xi32, #tpu.memory_space<vmem>> -> memref<1x128xi32, #tpu.memory_space<vmem>>
      %dma_wait3A_290 = tpu.memref_squeeze %dma_wait3A_289 : memref<1x128xi32, #tpu.memory_space<vmem>> -> memref<128xi32, #tpu.memory_space<vmem>>
      %dma_wait3A_291 = arith.constant 0 : i32
      %dma_wait3A_292 = arith.constant 0 : i32
      %dma_wait3A_293 = tpu.memref_slice %arg3[%dma_wait3A_291, %dma_wait3A_292] : memref<100000x128xf32, #tpu.memory_space<hbm>> -> memref<100000x128xf32, #tpu.memory_space<hbm>>
      tpu.wait_indirect_dma semaphore(%arg11 : memref<!tpu.dma_semaphore, #tpu.memory_space<semaphore_mem>>) src(%dma_wait3A_293 : memref<100000x128xf32, #tpu.memory_space<hbm>>) dst(%dma_wait3A_287 : memref<128x128xf32, #tpu.memory_space<vmem>>)
      %get3A_294 = arith.index_cast %add3A_271 : i32 to index
      %get3A_295 = arith.constant 0 : index
      %get3A_296 = tpu.vector_load %arg7[%get3A_294, %get3A_295] {strides = array<i32>} : memref<56x128xf32, #tpu.memory_space<vmem>>, vector<1x16xf32>,
      %get3A_297 = vector.shape_cast %get3A_296 : vector<1x16xf32> to vector<16xf32>
      %get3A_298 = arith.index_cast %add3A_271 : i32 to index
      %get3A_299 = arith.constant 16 : index
      %get3A_300 = tpu.vector_load %arg7[%get3A_298, %get3A_299] {strides = array<i32>} : memref<56x128xf32, #tpu.memory_space<vmem>>, vector<1x16xf32>,
      %get3A_301 = vector.shape_cast %get3A_300 : vector<1x16xf32> to vector<16xf32>
      %get3A_302 = arith.index_cast %add3A_271 : i32 to index
      %get3A_303 = arith.constant 32 : index
      %get3A_304 = tpu.vector_load %arg7[%get3A_302, %get3A_303] {strides = array<i32>} : memref<56x128xf32, #tpu.memory_space<vmem>>, vector<1x16xf32>,
      %get3A_305 = vector.shape_cast %get3A_304 : vector<1x16xf32> to vector<16xf32>
      %get3A_306 = arith.index_cast %add3A_271 : i32 to index
      %get3A_307 = arith.constant 48 : index
      %get3A_308 = tpu.vector_load %arg7[%get3A_306, %get3A_307] {strides = array<i32>} : memref<56x128xf32, #tpu.memory_space<vmem>>, vector<1x16xf32>,
      %get3A_309 = vector.shape_cast %get3A_308 : vector<1x16xf32> to vector<16xf32>
      %get3A_310 = arith.index_cast %add3A_271 : i32 to index
      %get3A_311 = arith.constant 64 : index
      %get3A_312 = tpu.vector_load %arg7[%get3A_310, %get3A_311] {strides = array<i32>} : memref<56x128xf32, #tpu.memory_space<vmem>>, vector<1x16xf32>,
      %get3A_313 = vector.shape_cast %get3A_312 : vector<1x16xf32> to vector<16xf32>
      %get3A_314 = arith.index_cast %add3A_271 : i32 to index
      %get3A_315 = arith.constant 80 : index
      %get3A_316 = tpu.vector_load %arg7[%get3A_314, %get3A_315] {strides = array<i32>} : memref<56x128xf32, #tpu.memory_space<vmem>>, vector<1x16xf32>,
      %get3A_317 = vector.shape_cast %get3A_316 : vector<1x16xf32> to vector<16xf32>
      %get3A_318 = arith.index_cast %add3A_271 : i32 to index
      %get3A_319 = arith.constant 96 : index
      %get3A_320 = tpu.vector_load %arg7[%get3A_318, %get3A_319] {strides = array<i32>} : memref<56x128xf32, #tpu.memory_space<vmem>>, vector<1x16xf32>,
      %get3A_321 = vector.shape_cast %get3A_320 : vector<1x16xf32> to vector<16xf32>
      %get3A_322 = arith.index_cast %add3A_271 : i32 to index
      %get3A_323 = arith.constant 112 : index
      %get3A_324 = tpu.vector_load %arg7[%get3A_322, %get3A_323] {strides = array<i32>} : memref<56x128xf32, #tpu.memory_space<vmem>>, vector<1x16xf32>,
      %get3A_325 = vector.shape_cast %get3A_324 : vector<1x16xf32> to vector<16xf32>
      %scan3A_326 = arith.constant 0 : i32
      %scan3A_327 = arith.constant 0 : i32
      %scan3A_328 = arith.constant 128 : i32
      %scan3A_329 = arith.addi %scan3A_327, %scan3A_328 : i32
      %scan3A_330 = arith.constant 1 : i32
      %scan3A_331 = scf.for %scan3A_498 = %scan3A_327 to %scan3A_329 step %scan3A_330 iter_args(%scan3A_499 = %scan3A_326) -> (i32)  : i32 {
        %get3A_500 = arith.constant 2 : i32
        %get3A_501 = arith.index_cast %get3A_500 : i32 to index
        %get3A_502 = arith.index_cast %scan3A_498 : i32 to index
        %get3A_503 = arith.constant 0 : index
        %get3A_504 = tpu.vector_load %arg8[%get3A_501, %get3A_502, %get3A_503] {strides = array<i32>} : memref<5x128x128xf32, #tpu.memory_space<vmem>>, vector<1x1x16xf32>,
        %get3A_505 = vector.shape_cast %get3A_504 : vector<1x1x16xf32> to vector<16xf32>
        %add3A_506 = arith.addf %get3A_505, %get3A_297 : vector<16xf32>
        %swap3A = arith.constant 2 : i32
        %swap3A_507 = arith.index_cast %swap3A : i32 to index
        %swap3A_508 = arith.index_cast %scan3A_498 : i32 to index
        %swap3A_509 = arith.constant 0 : index
        %swap3A_510 = tpu.vector_load %arg8[%swap3A_507, %swap3A_508, %swap3A_509] {strides = array<i32>} : memref<5x128x128xf32, #tpu.memory_space<vmem>>, vector<1x1x16xf32>,
        %swap3A_511 = vector.shape_cast %swap3A_510 : vector<1x1x16xf32> to vector<16xf32>
        %swap3A_512 = vector.shape_cast %add3A_506 : vector<16xf32> to vector<1x1x16xf32>
        tpu.vector_store %arg8[%swap3A_507, %swap3A_508, %swap3A_509], %swap3A_512 {strides = array<i32>} : memref<5x128x128xf32, #tpu.memory_space<vmem>>, vector<1x1x16xf32>,
        %get3A_513 = arith.constant 2 : i32
        %get3A_514 = arith.index_cast %get3A_513 : i32 to index
        %get3A_515 = arith.index_cast %scan3A_498 : i32 to index
        %get3A_516 = arith.constant 16 : index
        %get3A_517 = tpu.vector_load %arg8[%get3A_514, %get3A_515, %get3A_516] {strides = array<i32>} : memref<5x128x128xf32, #tpu.memory_space<vmem>>, vector<1x1x16xf32>,
        %get3A_518 = vector.shape_cast %get3A_517 : vector<1x1x16xf32> to vector<16xf32>
        %add3A_519 = arith.addf %get3A_518, %get3A_301 : vector<16xf32>
        %swap3A_520 = arith.constant 2 : i32
        %swap3A_521 = arith.index_cast %swap3A_520 : i32 to index
        %swap3A_522 = arith.index_cast %scan3A_498 : i32 to index
        %swap3A_523 = arith.constant 16 : index
        %swap3A_524 = tpu.vector_load %arg8[%swap3A_521, %swap3A_522, %swap3A_523] {strides = array<i32>} : memref<5x128x128xf32, #tpu.memory_space<vmem>>, vector<1x1x16xf32>,
        %swap3A_525 = vector.shape_cast %swap3A_524 : vector<1x1x16xf32> to vector<16xf32>
        %swap3A_526 = vector.shape_cast %add3A_519 : vector<16xf32> to vector<1x1x16xf32>
        tpu.vector_store %arg8[%swap3A_521, %swap3A_522, %swap3A_523], %swap3A_526 {strides = array<i32>} : memref<5x128x128xf32, #tpu.memory_space<vmem>>, vector<1x1x16xf32>,
        %get3A_527 = arith.constant 2 : i32
        %get3A_528 = arith.index_cast %get3A_527 : i32 to index
        %get3A_529 = arith.index_cast %scan3A_498 : i32 to index
        %get3A_530 = arith.constant 32 : index
        %get3A_531 = tpu.vector_load %arg8[%get3A_528, %get3A_529, %get3A_530] {strides = array<i32>} : memref<5x128x128xf32, #tpu.memory_space<vmem>>, vector<1x1x16xf32>,
        %get3A_532 = vector.shape_cast %get3A_531 : vector<1x1x16xf32> to vector<16xf32>
        %add3A_533 = arith.addf %get3A_532, %get3A_305 : vector<16xf32>
        %swap3A_534 = arith.constant 2 : i32
        %swap3A_535 = arith.index_cast %swap3A_534 : i32 to index
        %swap3A_536 = arith.index_cast %scan3A_498 : i32 to index
        %swap3A_537 = arith.constant 32 : index
        %swap3A_538 = tpu.vector_load %arg8[%swap3A_535, %swap3A_536, %swap3A_537] {strides = array<i32>} : memref<5x128x128xf32, #tpu.memory_space<vmem>>, vector<1x1x16xf32>,
        %swap3A_539 = vector.shape_cast %swap3A_538 : vector<1x1x16xf32> to vector<16xf32>
        %swap3A_540 = vector.shape_cast %add3A_533 : vector<16xf32> to vector<1x1x16xf32>
        tpu.vector_store %arg8[%swap3A_535, %swap3A_536, %swap3A_537], %swap3A_540 {strides = array<i32>} : memref<5x128x128xf32, #tpu.memory_space<vmem>>, vector<1x1x16xf32>,
        %get3A_541 = arith.constant 2 : i32
        %get3A_542 = arith.index_cast %get3A_541 : i32 to index
        %get3A_543 = arith.index_cast %scan3A_498 : i32 to index
        %get3A_544 = arith.constant 48 : index
        %get3A_545 = tpu.vector_load %arg8[%get3A_542, %get3A_543, %get3A_544] {strides = array<i32>} : memref<5x128x128xf32, #tpu.memory_space<vmem>>, vector<1x1x16xf32>,
        %get3A_546 = vector.shape_cast %get3A_545 : vector<1x1x16xf32> to vector<16xf32>
        %add3A_547 = arith.addf %get3A_546, %get3A_309 : vector<16xf32>
        %swap3A_548 = arith.constant 2 : i32
        %swap3A_549 = arith.index_cast %swap3A_548 : i32 to index
        %swap3A_550 = arith.index_cast %scan3A_498 : i32 to index
        %swap3A_551 = arith.constant 48 : index
        %swap3A_552 = tpu.vector_load %arg8[%swap3A_549, %swap3A_550, %swap3A_551] {strides = array<i32>} : memref<5x128x128xf32, #tpu.memory_space<vmem>>, vector<1x1x16xf32>,
        %swap3A_553 = vector.shape_cast %swap3A_552 : vector<1x1x16xf32> to vector<16xf32>
        %swap3A_554 = vector.shape_cast %add3A_547 : vector<16xf32> to vector<1x1x16xf32>
        tpu.vector_store %arg8[%swap3A_549, %swap3A_550, %swap3A_551], %swap3A_554 {strides = array<i32>} : memref<5x128x128xf32, #tpu.memory_space<vmem>>, vector<1x1x16xf32>,
        %get3A_555 = arith.constant 2 : i32
        %get3A_556 = arith.index_cast %get3A_555 : i32 to index
        %get3A_557 = arith.index_cast %scan3A_498 : i32 to index
        %get3A_558 = arith.constant 64 : index
        %get3A_559 = tpu.vector_load %arg8[%get3A_556, %get3A_557, %get3A_558] {strides = array<i32>} : memref<5x128x128xf32, #tpu.memory_space<vmem>>, vector<1x1x16xf32>,
        %get3A_560 = vector.shape_cast %get3A_559 : vector<1x1x16xf32> to vector<16xf32>
        %add3A_561 = arith.addf %get3A_560, %get3A_313 : vector<16xf32>
        %swap3A_562 = arith.constant 2 : i32
        %swap3A_563 = arith.index_cast %swap3A_562 : i32 to index
        %swap3A_564 = arith.index_cast %scan3A_498 : i32 to index
        %swap3A_565 = arith.constant 64 : index
        %swap3A_566 = tpu.vector_load %arg8[%swap3A_563, %swap3A_564, %swap3A_565] {strides = array<i32>} : memref<5x128x128xf32, #tpu.memory_space<vmem>>, vector<1x1x16xf32>,
        %swap3A_567 = vector.shape_cast %swap3A_566 : vector<1x1x16xf32> to vector<16xf32>
        %swap3A_568 = vector.shape_cast %add3A_561 : vector<16xf32> to vector<1x1x16xf32>
        tpu.vector_store %arg8[%swap3A_563, %swap3A_564, %swap3A_565], %swap3A_568 {strides = array<i32>} : memref<5x128x128xf32, #tpu.memory_space<vmem>>, vector<1x1x16xf32>,
        %get3A_569 = arith.constant 2 : i32
        %get3A_570 = arith.index_cast %get3A_569 : i32 to index
        %get3A_571 = arith.index_cast %scan3A_498 : i32 to index
        %get3A_572 = arith.constant 80 : index
        %get3A_573 = tpu.vector_load %arg8[%get3A_570, %get3A_571, %get3A_572] {strides = array<i32>} : memref<5x128x128xf32, #tpu.memory_space<vmem>>, vector<1x1x16xf32>,
        %get3A_574 = vector.shape_cast %get3A_573 : vector<1x1x16xf32> to vector<16xf32>
        %add3A_575 = arith.addf %get3A_574, %get3A_317 : vector<16xf32>
        %swap3A_576 = arith.constant 2 : i32
        %swap3A_577 = arith.index_cast %swap3A_576 : i32 to index
        %swap3A_578 = arith.index_cast %scan3A_498 : i32 to index
        %swap3A_579 = arith.constant 80 : index
        %swap3A_580 = tpu.vector_load %arg8[%swap3A_577, %swap3A_578, %swap3A_579] {strides = array<i32>} : memref<5x128x128xf32, #tpu.memory_space<vmem>>, vector<1x1x16xf32>,
        %swap3A_581 = vector.shape_cast %swap3A_580 : vector<1x1x16xf32> to vector<16xf32>
        %swap3A_582 = vector.shape_cast %add3A_575 : vector<16xf32> to vector<1x1x16xf32>
        tpu.vector_store %arg8[%swap3A_577, %swap3A_578, %swap3A_579], %swap3A_582 {strides = array<i32>} : memref<5x128x128xf32, #tpu.memory_space<vmem>>, vector<1x1x16xf32>,
        %get3A_583 = arith.constant 2 : i32
        %get3A_584 = arith.index_cast %get3A_583 : i32 to index
        %get3A_585 = arith.index_cast %scan3A_498 : i32 to index
        %get3A_586 = arith.constant 96 : index
        %get3A_587 = tpu.vector_load %arg8[%get3A_584, %get3A_585, %get3A_586] {strides = array<i32>} : memref<5x128x128xf32, #tpu.memory_space<vmem>>, vector<1x1x16xf32>,
        %get3A_588 = vector.shape_cast %get3A_587 : vector<1x1x16xf32> to vector<16xf32>
        %add3A_589 = arith.addf %get3A_588, %get3A_321 : vector<16xf32>
        %swap3A_590 = arith.constant 2 : i32
        %swap3A_591 = arith.index_cast %swap3A_590 : i32 to index
        %swap3A_592 = arith.index_cast %scan3A_498 : i32 to index
        %swap3A_593 = arith.constant 96 : index
        %swap3A_594 = tpu.vector_load %arg8[%swap3A_591, %swap3A_592, %swap3A_593] {strides = array<i32>} : memref<5x128x128xf32, #tpu.memory_space<vmem>>, vector<1x1x16xf32>,
        %swap3A_595 = vector.shape_cast %swap3A_594 : vector<1x1x16xf32> to vector<16xf32>
        %swap3A_596 = vector.shape_cast %add3A_589 : vector<16xf32> to vector<1x1x16xf32>
        tpu.vector_store %arg8[%swap3A_591, %swap3A_592, %swap3A_593], %swap3A_596 {strides = array<i32>} : memref<5x128x128xf32, #tpu.memory_space<vmem>>, vector<1x1x16xf32>,
        %get3A_597 = arith.constant 2 : i32
        %get3A_598 = arith.index_cast %get3A_597 : i32 to index
        %get3A_599 = arith.index_cast %scan3A_498 : i32 to index
        %get3A_600 = arith.constant 112 : index
        %get3A_601 = tpu.vector_load %arg8[%get3A_598, %get3A_599, %get3A_600] {strides = array<i32>} : memref<5x128x128xf32, #tpu.memory_space<vmem>>, vector<1x1x16xf32>,
        %get3A_602 = vector.shape_cast %get3A_601 : vector<1x1x16xf32> to vector<16xf32>
        %add3A_603 = arith.addf %get3A_602, %get3A_325 : vector<16xf32>
        %swap3A_604 = arith.constant 2 : i32
        %swap3A_605 = arith.index_cast %swap3A_604 : i32 to index
        %swap3A_606 = arith.index_cast %scan3A_498 : i32 to index
        %swap3A_607 = arith.constant 112 : index
        %swap3A_608 = tpu.vector_load %arg8[%swap3A_605, %swap3A_606, %swap3A_607] {strides = array<i32>} : memref<5x128x128xf32, #tpu.memory_space<vmem>>, vector<1x1x16xf32>,
        %swap3A_609 = vector.shape_cast %swap3A_608 : vector<1x1x16xf32> to vector<16xf32>
        %swap3A_610 = vector.shape_cast %add3A_603 : vector<16xf32> to vector<1x1x16xf32>
        tpu.vector_store %arg8[%swap3A_605, %swap3A_606, %swap3A_607], %swap3A_610 {strides = array<i32>} : memref<5x128x128xf32, #tpu.memory_space<vmem>>, vector<1x1x16xf32>,
        %scan3A_611 = arith.constant 0 : i32
        scf.yield %scan3A_611 : i32
      }
      %scan3A_332 = arith.constant 128 : i32
      %dma_start3A_333 = arith.constant 2 : i32
      %dma_start3A_334 = arith.constant 0 : i32
      %dma_start3A_335 = arith.constant 0 : i32
      %dma_start3A_336 = tpu.memref_slice %arg8[%dma_start3A_333, %dma_start3A_334, %dma_start3A_335] : memref<5x128x128xf32, #tpu.memory_space<vmem>> -> memref<1x128x128xf32, #tpu.memory_space<vmem>>
      %dma_start3A_337 = tpu.memref_squeeze %dma_start3A_336 : memref<1x128x128xf32, #tpu.memory_space<vmem>> -> memref<128x128xf32, #tpu.memory_space<vmem>>
      %dma_start3A_338 = arith.constant 0 : i32
      %dma_start3A_339 = tpu.memref_slice %arg5[%add3A_271, %mul3A_2, %dma_start3A_338] : memref<50x4096x128xf32, #tpu.memory_space<hbm>> -> memref<1x128x128xf32, #tpu.memory_space<hbm>>
      %dma_start3A_340 = tpu.memref_squeeze %dma_start3A_339 : memref<1x128x128xf32, #tpu.memory_space<hbm>> -> memref<128x128xf32, #tpu.memory_space<hbm>>
      %dma_start3A_341 = arith.constant 0 : i32
      %dma_start3A_342 = tpu.memref_slice %arg5[%add3A_271, %mul3A_2, %dma_start3A_341] : memref<50x4096x128xf32, #tpu.memory_space<hbm>> -> memref<1x128x128xf32, #tpu.memory_space<hbm>>
      %dma_start3A_343 = tpu.memref_squeeze %dma_start3A_342 : memref<1x128x128xf32, #tpu.memory_space<hbm>> -> memref<128x128xf32, #tpu.memory_space<hbm>>
      %dma_start3A_344 = arith.constant 0 : i32
      %dma_start3A_345 = arith.constant 0 : i32
      %dma_start3A_346 = tpu.memref_slice %arg8[%dma_start3A_333, %dma_start3A_344, %dma_start3A_345] : memref<5x128x128xf32, #tpu.memory_space<vmem>> -> memref<1x128x128xf32, #tpu.memory_space<vmem>>
      %dma_start3A_347 = tpu.memref_squeeze %dma_start3A_346 : memref<1x128x128xf32, #tpu.memory_space<vmem>> -> memref<128x128xf32, #tpu.memory_space<vmem>>
      tpu.enqueue_dma source(%dma_start3A_347 : memref<128x128xf32, #tpu.memory_space<vmem>>) target(%dma_start3A_343 : memref<128x128xf32, #tpu.memory_space<hbm>>) target_semaphore(%arg16 : memref<!tpu.dma_semaphore, #tpu.memory_space<semaphore_mem>>)
      %mul3A_348 = arith.constant 5 : i32
      %mul3A_349 = arith.muli %mul3A_348, %scan3A_111 : i32
      %add3A_350 = arith.constant 3 : i32
      %add3A_351 = arith.addi %mul3A_349, %add3A_350 : i32
      %lt3A = arith.constant 9 : i32
      %lt3A_352 = arith.cmpi slt, %scan3A_111, %lt3A : i32
      %convert_element_type3A_353 = arith.extui %lt3A_352 : i1 to i32
      %cond3A_354 = arith.constant 0 : i32
      %cond3A_355 = arith.cmpi ne, %convert_element_type3A_353, %cond3A_354 : i32
      scf.if %cond3A_355 {
        %dma_wait3A_498 = arith.constant 0 : i32
        %dma_wait3A_499 = arith.constant 0 : i32
        %dma_wait3A_500 = arith.constant 0 : i32
        %dma_wait3A_501 = arith.constant 0 : i32
        %dma_wait3A_502 = tpu.memref_slice %arg8[%dma_wait3A_498, %dma_wait3A_500, %dma_wait3A_501] : memref<5x128x128xf32, #tpu.memory_space<vmem>> -> memref<1x128x128xf32, #tpu.memory_space<vmem>>
        %dma_wait3A_503 = tpu.memref_squeeze %dma_wait3A_502 : memref<1x128x128xf32, #tpu.memory_space<vmem>> -> memref<128x128xf32, #tpu.memory_space<vmem>>
        %dma_wait3A_504 = arith.constant 0 : i32
        %dma_wait3A_505 = tpu.memref_slice %arg5[%dma_wait3A_499, %mul3A_2, %dma_wait3A_504] : memref<50x4096x128xf32, #tpu.memory_space<hbm>> -> memref<1x128x128xf32, #tpu.memory_space<hbm>>
        %dma_wait3A_506 = tpu.memref_squeeze %dma_wait3A_505 : memref<1x128x128xf32, #tpu.memory_space<hbm>> -> memref<128x128xf32, #tpu.memory_space<hbm>>
        %dma_wait3A_507 = arith.constant 0 : i32
        %dma_wait3A_508 = tpu.memref_slice %arg5[%dma_wait3A_499, %mul3A_2, %dma_wait3A_507] : memref<50x4096x128xf32, #tpu.memory_space<hbm>> -> memref<1x128x128xf32, #tpu.memory_space<hbm>>
        %dma_wait3A_509 = tpu.memref_squeeze %dma_wait3A_508 : memref<1x128x128xf32, #tpu.memory_space<hbm>> -> memref<128x128xf32, #tpu.memory_space<hbm>>
        %dma_wait3A_510 = arith.constant 0 : i32
        %dma_wait3A_511 = arith.constant 0 : i32
        %dma_wait3A_512 = tpu.memref_slice %arg8[%dma_wait3A_498, %dma_wait3A_510, %dma_wait3A_511] : memref<5x128x128xf32, #tpu.memory_space<vmem>> -> memref<1x128x128xf32, #tpu.memory_space<vmem>>
        %dma_wait3A_513 = tpu.memref_squeeze %dma_wait3A_512 : memref<1x128x128xf32, #tpu.memory_space<vmem>> -> memref<128x128xf32, #tpu.memory_space<vmem>>
        tpu.wait_dma2 semaphore(%arg14 : memref<!tpu.dma_semaphore, #tpu.memory_space<semaphore_mem>>) src(%dma_wait3A_513 : memref<128x128xf32, #tpu.memory_space<vmem>>) dst(%dma_wait3A_509 : memref<128x128xf32, #tpu.memory_space<hbm>>)
        %add3A_514 = arith.constant 2 : i32
        %add3A_515 = arith.addi %add3A_351, %add3A_514 : i32
        %dma_start3A_516 = arith.constant 0 : i32
        %dma_start3A_517 = arith.constant 0 : i32
        %dma_start3A_518 = arith.constant 0 : i32
        %dma_start3A_519 = tpu.memref_slice %arg8[%dma_start3A_516, %dma_start3A_517, %dma_start3A_518] : memref<5x128x128xf32, #tpu.memory_space<vmem>> -> memref<1x128x128xf32, #tpu.memory_space<vmem>>
        %dma_start3A_520 = tpu.memref_squeeze %dma_start3A_519 : memref<1x128x128xf32, #tpu.memory_space<vmem>> -> memref<128x128xf32, #tpu.memory_space<vmem>>
        %dma_start3A_521 = arith.constant 0 : i32
        %dma_start3A_522 = tpu.memref_slice %arg6[%add3A_515, %dma_start3A_521] : memref<50x128xi32, #tpu.memory_space<vmem>> -> memref<1x128xi32, #tpu.memory_space<vmem>>
        %dma_start3A_523 = tpu.memref_squeeze %dma_start3A_522 : memref<1x128xi32, #tpu.memory_space<vmem>> -> memref<128xi32, #tpu.memory_space<vmem>>
        %dma_start3A_524 = arith.constant 0 : i32
        %dma_start3A_525 = arith.constant 0 : i32
        %dma_start3A_526 = tpu.memref_slice %arg3[%dma_start3A_524, %dma_start3A_525] : memref<100000x128xf32, #tpu.memory_space<hbm>> -> memref<100000x128xf32, #tpu.memory_space<hbm>>
        tpu.enqueue_indirect_dma source(%dma_start3A_526 : memref<100000x128xf32, #tpu.memory_space<hbm>>) target(%dma_start3A_520 : memref<128x128xf32, #tpu.memory_space<vmem>>) offsets(%dma_start3A_523 : memref<128xi32, #tpu.memory_space<vmem>>) semaphore(%arg9 : memref<!tpu.dma_semaphore, #tpu.memory_space<semaphore_mem>>)
      } else {
      }
      %dma_wait3A_356 = arith.constant 0 : i32
      %dma_wait3A_357 = arith.constant 3 : i32
      %dma_wait3A_358 = arith.constant 0 : i32
      %dma_wait3A_359 = arith.constant 0 : i32
      %dma_wait3A_360 = tpu.memref_slice %arg8[%dma_wait3A_357, %dma_wait3A_358, %dma_wait3A_359] : memref<5x128x128xf32, #tpu.memory_space<vmem>> -> memref<1x128x128xf32, #tpu.memory_space<vmem>>
      %dma_wait3A_361 = tpu.memref_squeeze %dma_wait3A_360 : memref<1x128x128xf32, #tpu.memory_space<vmem>> -> memref<128x128xf32, #tpu.memory_space<vmem>>
      %dma_wait3A_362 = arith.constant 0 : i32
      %dma_wait3A_363 = tpu.memref_slice %arg6[%dma_wait3A_356, %dma_wait3A_362] : memref<50x128xi32, #tpu.memory_space<vmem>> -> memref<1x128xi32, #tpu.memory_space<vmem>>
      %dma_wait3A_364 = tpu.memref_squeeze %dma_wait3A_363 : memref<1x128xi32, #tpu.memory_space<vmem>> -> memref<128xi32, #tpu.memory_space<vmem>>
      %dma_wait3A_365 = arith.constant 0 : i32
      %dma_wait3A_366 = arith.constant 0 : i32
      %dma_wait3A_367 = tpu.memref_slice %arg3[%dma_wait3A_365, %dma_wait3A_366] : memref<100000x128xf32, #tpu.memory_space<hbm>> -> memref<100000x128xf32, #tpu.memory_space<hbm>>
      tpu.wait_indirect_dma semaphore(%arg12 : memref<!tpu.dma_semaphore, #tpu.memory_space<semaphore_mem>>) src(%dma_wait3A_367 : memref<100000x128xf32, #tpu.memory_space<hbm>>) dst(%dma_wait3A_361 : memref<128x128xf32, #tpu.memory_space<vmem>>)
      %get3A_368 = arith.index_cast %add3A_351 : i32 to index
      %get3A_369 = arith.constant 0 : index
      %get3A_370 = tpu.vector_load %arg7[%get3A_368, %get3A_369] {strides = array<i32>} : memref<56x128xf32, #tpu.memory_space<vmem>>, vector<1x16xf32>,
      %get3A_371 = vector.shape_cast %get3A_370 : vector<1x16xf32> to vector<16xf32>
      %get3A_372 = arith.index_cast %add3A_351 : i32 to index
      %get3A_373 = arith.constant 16 : index
      %get3A_374 = tpu.vector_load %arg7[%get3A_372, %get3A_373] {strides = array<i32>} : memref<56x128xf32, #tpu.memory_space<vmem>>, vector<1x16xf32>,
      %get3A_375 = vector.shape_cast %get3A_374 : vector<1x16xf32> to vector<16xf32>
      %get3A_376 = arith.index_cast %add3A_351 : i32 to index
      %get3A_377 = arith.constant 32 : index
      %get3A_378 = tpu.vector_load %arg7[%get3A_376, %get3A_377] {strides = array<i32>} : memref<56x128xf32, #tpu.memory_space<vmem>>, vector<1x16xf32>,
      %get3A_379 = vector.shape_cast %get3A_378 : vector<1x16xf32> to vector<16xf32>
      %get3A_380 = arith.index_cast %add3A_351 : i32 to index
      %get3A_381 = arith.constant 48 : index
      %get3A_382 = tpu.vector_load %arg7[%get3A_380, %get3A_381] {strides = array<i32>} : memref<56x128xf32, #tpu.memory_space<vmem>>, vector<1x16xf32>,
      %get3A_383 = vector.shape_cast %get3A_382 : vector<1x16xf32> to vector<16xf32>
      %get3A_384 = arith.index_cast %add3A_351 : i32 to index
      %get3A_385 = arith.constant 64 : index
      %get3A_386 = tpu.vector_load %arg7[%get3A_384, %get3A_385] {strides = array<i32>} : memref<56x128xf32, #tpu.memory_space<vmem>>, vector<1x16xf32>,
      %get3A_387 = vector.shape_cast %get3A_386 : vector<1x16xf32> to vector<16xf32>
      %get3A_388 = arith.index_cast %add3A_351 : i32 to index
      %get3A_389 = arith.constant 80 : index
      %get3A_390 = tpu.vector_load %arg7[%get3A_388, %get3A_389] {strides = array<i32>} : memref<56x128xf32, #tpu.memory_space<vmem>>, vector<1x16xf32>,
      %get3A_391 = vector.shape_cast %get3A_390 : vector<1x16xf32> to vector<16xf32>
      %get3A_392 = arith.index_cast %add3A_351 : i32 to index
      %get3A_393 = arith.constant 96 : index
      %get3A_394 = tpu.vector_load %arg7[%get3A_392, %get3A_393] {strides = array<i32>} : memref<56x128xf32, #tpu.memory_space<vmem>>, vector<1x16xf32>,
      %get3A_395 = vector.shape_cast %get3A_394 : vector<1x16xf32> to vector<16xf32>
      %get3A_396 = arith.index_cast %add3A_351 : i32 to index
      %get3A_397 = arith.constant 112 : index
      %get3A_398 = tpu.vector_load %arg7[%get3A_396, %get3A_397] {strides = array<i32>} : memref<56x128xf32, #tpu.memory_space<vmem>>, vector<1x16xf32>,
      %get3A_399 = vector.shape_cast %get3A_398 : vector<1x16xf32> to vector<16xf32>
      %scan3A_400 = arith.constant 0 : i32
      %scan3A_401 = arith.constant 0 : i32
      %scan3A_402 = arith.constant 128 : i32
      %scan3A_403 = arith.addi %scan3A_401, %scan3A_402 : i32
      %scan3A_404 = arith.constant 1 : i32
      %scan3A_405 = scf.for %scan3A_498 = %scan3A_401 to %scan3A_403 step %scan3A_404 iter_args(%scan3A_499 = %scan3A_400) -> (i32)  : i32 {
        %get3A_500 = arith.constant 3 : i32
        %get3A_501 = arith.index_cast %get3A_500 : i32 to index
        %get3A_502 = arith.index_cast %scan3A_498 : i32 to index
        %get3A_503 = arith.constant 0 : index
        %get3A_504 = tpu.vector_load %arg8[%get3A_501, %get3A_502, %get3A_503] {strides = array<i32>} : memref<5x128x128xf32, #tpu.memory_space<vmem>>, vector<1x1x16xf32>,
        %get3A_505 = vector.shape_cast %get3A_504 : vector<1x1x16xf32> to vector<16xf32>
        %add3A_506 = arith.addf %get3A_505, %get3A_371 : vector<16xf32>
        %swap3A = arith.constant 3 : i32
        %swap3A_507 = arith.index_cast %swap3A : i32 to index
        %swap3A_508 = arith.index_cast %scan3A_498 : i32 to index
        %swap3A_509 = arith.constant 0 : index
        %swap3A_510 = tpu.vector_load %arg8[%swap3A_507, %swap3A_508, %swap3A_509] {strides = array<i32>} : memref<5x128x128xf32, #tpu.memory_space<vmem>>, vector<1x1x16xf32>,
        %swap3A_511 = vector.shape_cast %swap3A_510 : vector<1x1x16xf32> to vector<16xf32>
        %swap3A_512 = vector.shape_cast %add3A_506 : vector<16xf32> to vector<1x1x16xf32>
        tpu.vector_store %arg8[%swap3A_507, %swap3A_508, %swap3A_509], %swap3A_512 {strides = array<i32>} : memref<5x128x128xf32, #tpu.memory_space<vmem>>, vector<1x1x16xf32>,
        %get3A_513 = arith.constant 3 : i32
        %get3A_514 = arith.index_cast %get3A_513 : i32 to index
        %get3A_515 = arith.index_cast %scan3A_498 : i32 to index
        %get3A_516 = arith.constant 16 : index
        %get3A_517 = tpu.vector_load %arg8[%get3A_514, %get3A_515, %get3A_516] {strides = array<i32>} : memref<5x128x128xf32, #tpu.memory_space<vmem>>, vector<1x1x16xf32>,
        %get3A_518 = vector.shape_cast %get3A_517 : vector<1x1x16xf32> to vector<16xf32>
        %add3A_519 = arith.addf %get3A_518, %get3A_375 : vector<16xf32>
        %swap3A_520 = arith.constant 3 : i32
        %swap3A_521 = arith.index_cast %swap3A_520 : i32 to index
        %swap3A_522 = arith.index_cast %scan3A_498 : i32 to index
        %swap3A_523 = arith.constant 16 : index
        %swap3A_524 = tpu.vector_load %arg8[%swap3A_521, %swap3A_522, %swap3A_523] {strides = array<i32>} : memref<5x128x128xf32, #tpu.memory_space<vmem>>, vector<1x1x16xf32>,
        %swap3A_525 = vector.shape_cast %swap3A_524 : vector<1x1x16xf32> to vector<16xf32>
        %swap3A_526 = vector.shape_cast %add3A_519 : vector<16xf32> to vector<1x1x16xf32>
        tpu.vector_store %arg8[%swap3A_521, %swap3A_522, %swap3A_523], %swap3A_526 {strides = array<i32>} : memref<5x128x128xf32, #tpu.memory_space<vmem>>, vector<1x1x16xf32>,
        %get3A_527 = arith.constant 3 : i32
        %get3A_528 = arith.index_cast %get3A_527 : i32 to index
        %get3A_529 = arith.index_cast %scan3A_498 : i32 to index
        %get3A_530 = arith.constant 32 : index
        %get3A_531 = tpu.vector_load %arg8[%get3A_528, %get3A_529, %get3A_530] {strides = array<i32>} : memref<5x128x128xf32, #tpu.memory_space<vmem>>, vector<1x1x16xf32>,
        %get3A_532 = vector.shape_cast %get3A_531 : vector<1x1x16xf32> to vector<16xf32>
        %add3A_533 = arith.addf %get3A_532, %get3A_379 : vector<16xf32>
        %swap3A_534 = arith.constant 3 : i32
        %swap3A_535 = arith.index_cast %swap3A_534 : i32 to index
        %swap3A_536 = arith.index_cast %scan3A_498 : i32 to index
        %swap3A_537 = arith.constant 32 : index
        %swap3A_538 = tpu.vector_load %arg8[%swap3A_535, %swap3A_536, %swap3A_537] {strides = array<i32>} : memref<5x128x128xf32, #tpu.memory_space<vmem>>, vector<1x1x16xf32>,
        %swap3A_539 = vector.shape_cast %swap3A_538 : vector<1x1x16xf32> to vector<16xf32>
        %swap3A_540 = vector.shape_cast %add3A_533 : vector<16xf32> to vector<1x1x16xf32>
        tpu.vector_store %arg8[%swap3A_535, %swap3A_536, %swap3A_537], %swap3A_540 {strides = array<i32>} : memref<5x128x128xf32, #tpu.memory_space<vmem>>, vector<1x1x16xf32>,
        %get3A_541 = arith.constant 3 : i32
        %get3A_542 = arith.index_cast %get3A_541 : i32 to index
        %get3A_543 = arith.index_cast %scan3A_498 : i32 to index
        %get3A_544 = arith.constant 48 : index
        %get3A_545 = tpu.vector_load %arg8[%get3A_542, %get3A_543, %get3A_544] {strides = array<i32>} : memref<5x128x128xf32, #tpu.memory_space<vmem>>, vector<1x1x16xf32>,
        %get3A_546 = vector.shape_cast %get3A_545 : vector<1x1x16xf32> to vector<16xf32>
        %add3A_547 = arith.addf %get3A_546, %get3A_383 : vector<16xf32>
        %swap3A_548 = arith.constant 3 : i32
        %swap3A_549 = arith.index_cast %swap3A_548 : i32 to index
        %swap3A_550 = arith.index_cast %scan3A_498 : i32 to index
        %swap3A_551 = arith.constant 48 : index
        %swap3A_552 = tpu.vector_load %arg8[%swap3A_549, %swap3A_550, %swap3A_551] {strides = array<i32>} : memref<5x128x128xf32, #tpu.memory_space<vmem>>, vector<1x1x16xf32>,
        %swap3A_553 = vector.shape_cast %swap3A_552 : vector<1x1x16xf32> to vector<16xf32>
        %swap3A_554 = vector.shape_cast %add3A_547 : vector<16xf32> to vector<1x1x16xf32>
        tpu.vector_store %arg8[%swap3A_549, %swap3A_550, %swap3A_551], %swap3A_554 {strides = array<i32>} : memref<5x128x128xf32, #tpu.memory_space<vmem>>, vector<1x1x16xf32>,
        %get3A_555 = arith.constant 3 : i32
        %get3A_556 = arith.index_cast %get3A_555 : i32 to index
        %get3A_557 = arith.index_cast %scan3A_498 : i32 to index
        %get3A_558 = arith.constant 64 : index
        %get3A_559 = tpu.vector_load %arg8[%get3A_556, %get3A_557, %get3A_558] {strides = array<i32>} : memref<5x128x128xf32, #tpu.memory_space<vmem>>, vector<1x1x16xf32>,
        %get3A_560 = vector.shape_cast %get3A_559 : vector<1x1x16xf32> to vector<16xf32>
        %add3A_561 = arith.addf %get3A_560, %get3A_387 : vector<16xf32>
        %swap3A_562 = arith.constant 3 : i32
        %swap3A_563 = arith.index_cast %swap3A_562 : i32 to index
        %swap3A_564 = arith.index_cast %scan3A_498 : i32 to index
        %swap3A_565 = arith.constant 64 : index
        %swap3A_566 = tpu.vector_load %arg8[%swap3A_563, %swap3A_564, %swap3A_565] {strides = array<i32>} : memref<5x128x128xf32, #tpu.memory_space<vmem>>, vector<1x1x16xf32>,
        %swap3A_567 = vector.shape_cast %swap3A_566 : vector<1x1x16xf32> to vector<16xf32>
        %swap3A_568 = vector.shape_cast %add3A_561 : vector<16xf32> to vector<1x1x16xf32>
        tpu.vector_store %arg8[%swap3A_563, %swap3A_564, %swap3A_565], %swap3A_568 {strides = array<i32>} : memref<5x128x128xf32, #tpu.memory_space<vmem>>, vector<1x1x16xf32>,
        %get3A_569 = arith.constant 3 : i32
        %get3A_570 = arith.index_cast %get3A_569 : i32 to index
        %get3A_571 = arith.index_cast %scan3A_498 : i32 to index
        %get3A_572 = arith.constant 80 : index
        %get3A_573 = tpu.vector_load %arg8[%get3A_570, %get3A_571, %get3A_572] {strides = array<i32>} : memref<5x128x128xf32, #tpu.memory_space<vmem>>, vector<1x1x16xf32>,
        %get3A_574 = vector.shape_cast %get3A_573 : vector<1x1x16xf32> to vector<16xf32>
        %add3A_575 = arith.addf %get3A_574, %get3A_391 : vector<16xf32>
        %swap3A_576 = arith.constant 3 : i32
        %swap3A_577 = arith.index_cast %swap3A_576 : i32 to index
        %swap3A_578 = arith.index_cast %scan3A_498 : i32 to index
        %swap3A_579 = arith.constant 80 : index
        %swap3A_580 = tpu.vector_load %arg8[%swap3A_577, %swap3A_578, %swap3A_579] {strides = array<i32>} : memref<5x128x128xf32, #tpu.memory_space<vmem>>, vector<1x1x16xf32>,
        %swap3A_581 = vector.shape_cast %swap3A_580 : vector<1x1x16xf32> to vector<16xf32>
        %swap3A_582 = vector.shape_cast %add3A_575 : vector<16xf32> to vector<1x1x16xf32>
        tpu.vector_store %arg8[%swap3A_577, %swap3A_578, %swap3A_579], %swap3A_582 {strides = array<i32>} : memref<5x128x128xf32, #tpu.memory_space<vmem>>, vector<1x1x16xf32>,
        %get3A_583 = arith.constant 3 : i32
        %get3A_584 = arith.index_cast %get3A_583 : i32 to index
        %get3A_585 = arith.index_cast %scan3A_498 : i32 to index
        %get3A_586 = arith.constant 96 : index
        %get3A_587 = tpu.vector_load %arg8[%get3A_584, %get3A_585, %get3A_586] {strides = array<i32>} : memref<5x128x128xf32, #tpu.memory_space<vmem>>, vector<1x1x16xf32>,
        %get3A_588 = vector.shape_cast %get3A_587 : vector<1x1x16xf32> to vector<16xf32>
        %add3A_589 = arith.addf %get3A_588, %get3A_395 : vector<16xf32>
        %swap3A_590 = arith.constant 3 : i32
        %swap3A_591 = arith.index_cast %swap3A_590 : i32 to index
        %swap3A_592 = arith.index_cast %scan3A_498 : i32 to index
        %swap3A_593 = arith.constant 96 : index
        %swap3A_594 = tpu.vector_load %arg8[%swap3A_591, %swap3A_592, %swap3A_593] {strides = array<i32>} : memref<5x128x128xf32, #tpu.memory_space<vmem>>, vector<1x1x16xf32>,
        %swap3A_595 = vector.shape_cast %swap3A_594 : vector<1x1x16xf32> to vector<16xf32>
        %swap3A_596 = vector.shape_cast %add3A_589 : vector<16xf32> to vector<1x1x16xf32>
        tpu.vector_store %arg8[%swap3A_591, %swap3A_592, %swap3A_593], %swap3A_596 {strides = array<i32>} : memref<5x128x128xf32, #tpu.memory_space<vmem>>, vector<1x1x16xf32>,
        %get3A_597 = arith.constant 3 : i32
        %get3A_598 = arith.index_cast %get3A_597 : i32 to index
        %get3A_599 = arith.index_cast %scan3A_498 : i32 to index
        %get3A_600 = arith.constant 112 : index
        %get3A_601 = tpu.vector_load %arg8[%get3A_598, %get3A_599, %get3A_600] {strides = array<i32>} : memref<5x128x128xf32, #tpu.memory_space<vmem>>, vector<1x1x16xf32>,
        %get3A_602 = vector.shape_cast %get3A_601 : vector<1x1x16xf32> to vector<16xf32>
        %add3A_603 = arith.addf %get3A_602, %get3A_399 : vector<16xf32>
        %swap3A_604 = arith.constant 3 : i32
        %swap3A_605 = arith.index_cast %swap3A_604 : i32 to index
        %swap3A_606 = arith.index_cast %scan3A_498 : i32 to index
        %swap3A_607 = arith.constant 112 : index
        %swap3A_608 = tpu.vector_load %arg8[%swap3A_605, %swap3A_606, %swap3A_607] {strides = array<i32>} : memref<5x128x128xf32, #tpu.memory_space<vmem>>, vector<1x1x16xf32>,
        %swap3A_609 = vector.shape_cast %swap3A_608 : vector<1x1x16xf32> to vector<16xf32>
        %swap3A_610 = vector.shape_cast %add3A_603 : vector<16xf32> to vector<1x1x16xf32>
        tpu.vector_store %arg8[%swap3A_605, %swap3A_606, %swap3A_607], %swap3A_610 {strides = array<i32>} : memref<5x128x128xf32, #tpu.memory_space<vmem>>, vector<1x1x16xf32>,
        %scan3A_611 = arith.constant 0 : i32
        scf.yield %scan3A_611 : i32
      }
      %scan3A_406 = arith.constant 128 : i32
      %dma_start3A_407 = arith.constant 3 : i32
      %dma_start3A_408 = arith.constant 0 : i32
      %dma_start3A_409 = arith.constant 0 : i32
      %dma_start3A_410 = tpu.memref_slice %arg8[%dma_start3A_407, %dma_start3A_408, %dma_start3A_409] : memref<5x128x128xf32, #tpu.memory_space<vmem>> -> memref<1x128x128xf32, #tpu.memory_space<vmem>>
      %dma_start3A_411 = tpu.memref_squeeze %dma_start3A_410 : memref<1x128x128xf32, #tpu.memory_space<vmem>> -> memref<128x128xf32, #tpu.memory_space<vmem>>
      %dma_start3A_412 = arith.constant 0 : i32
      %dma_start3A_413 = tpu.memref_slice %arg5[%add3A_351, %mul3A_2, %dma_start3A_412] : memref<50x4096x128xf32, #tpu.memory_space<hbm>> -> memref<1x128x128xf32, #tpu.memory_space<hbm>>
      %dma_start3A_414 = tpu.memref_squeeze %dma_start3A_413 : memref<1x128x128xf32, #tpu.memory_space<hbm>> -> memref<128x128xf32, #tpu.memory_space<hbm>>
      %dma_start3A_415 = arith.constant 0 : i32
      %dma_start3A_416 = tpu.memref_slice %arg5[%add3A_351, %mul3A_2, %dma_start3A_415] : memref<50x4096x128xf32, #tpu.memory_space<hbm>> -> memref<1x128x128xf32, #tpu.memory_space<hbm>>
      %dma_start3A_417 = tpu.memref_squeeze %dma_start3A_416 : memref<1x128x128xf32, #tpu.memory_space<hbm>> -> memref<128x128xf32, #tpu.memory_space<hbm>>
      %dma_start3A_418 = arith.constant 0 : i32
      %dma_start3A_419 = arith.constant 0 : i32
      %dma_start3A_420 = tpu.memref_slice %arg8[%dma_start3A_407, %dma_start3A_418, %dma_start3A_419] : memref<5x128x128xf32, #tpu.memory_space<vmem>> -> memref<1x128x128xf32, #tpu.memory_space<vmem>>
      %dma_start3A_421 = tpu.memref_squeeze %dma_start3A_420 : memref<1x128x128xf32, #tpu.memory_space<vmem>> -> memref<128x128xf32, #tpu.memory_space<vmem>>
      tpu.enqueue_dma source(%dma_start3A_421 : memref<128x128xf32, #tpu.memory_space<vmem>>) target(%dma_start3A_417 : memref<128x128xf32, #tpu.memory_space<hbm>>) target_semaphore(%arg17 : memref<!tpu.dma_semaphore, #tpu.memory_space<semaphore_mem>>)
      %mul3A_422 = arith.constant 5 : i32
      %mul3A_423 = arith.muli %mul3A_422, %scan3A_111 : i32
      %add3A_424 = arith.constant 4 : i32
      %add3A_425 = arith.addi %mul3A_423, %add3A_424 : i32
      %lt3A_426 = arith.constant 9 : i32
      %lt3A_427 = arith.cmpi slt, %scan3A_111, %lt3A_426 : i32
      %convert_element_type3A_428 = arith.extui %lt3A_427 : i1 to i32
      %cond3A_429 = arith.constant 0 : i32
      %cond3A_430 = arith.cmpi ne, %convert_element_type3A_428, %cond3A_429 : i32
      scf.if %cond3A_430 {
        %dma_wait3A_498 = arith.constant 1 : i32
        %dma_wait3A_499 = arith.constant 0 : i32
        %dma_wait3A_500 = arith.constant 0 : i32
        %dma_wait3A_501 = arith.constant 0 : i32
        %dma_wait3A_502 = tpu.memref_slice %arg8[%dma_wait3A_498, %dma_wait3A_500, %dma_wait3A_501] : memref<5x128x128xf32, #tpu.memory_space<vmem>> -> memref<1x128x128xf32, #tpu.memory_space<vmem>>
        %dma_wait3A_503 = tpu.memref_squeeze %dma_wait3A_502 : memref<1x128x128xf32, #tpu.memory_space<vmem>> -> memref<128x128xf32, #tpu.memory_space<vmem>>
        %dma_wait3A_504 = arith.constant 0 : i32
        %dma_wait3A_505 = tpu.memref_slice %arg5[%dma_wait3A_499, %mul3A_2, %dma_wait3A_504] : memref<50x4096x128xf32, #tpu.memory_space<hbm>> -> memref<1x128x128xf32, #tpu.memory_space<hbm>>
        %dma_wait3A_506 = tpu.memref_squeeze %dma_wait3A_505 : memref<1x128x128xf32, #tpu.memory_space<hbm>> -> memref<128x128xf32, #tpu.memory_space<hbm>>
        %dma_wait3A_507 = arith.constant 0 : i32
        %dma_wait3A_508 = tpu.memref_slice %arg5[%dma_wait3A_499, %mul3A_2, %dma_wait3A_507] : memref<50x4096x128xf32, #tpu.memory_space<hbm>> -> memref<1x128x128xf32, #tpu.memory_space<hbm>>
        %dma_wait3A_509 = tpu.memref_squeeze %dma_wait3A_508 : memref<1x128x128xf32, #tpu.memory_space<hbm>> -> memref<128x128xf32, #tpu.memory_space<hbm>>
        %dma_wait3A_510 = arith.constant 0 : i32
        %dma_wait3A_511 = arith.constant 0 : i32
        %dma_wait3A_512 = tpu.memref_slice %arg8[%dma_wait3A_498, %dma_wait3A_510, %dma_wait3A_511] : memref<5x128x128xf32, #tpu.memory_space<vmem>> -> memref<1x128x128xf32, #tpu.memory_space<vmem>>
        %dma_wait3A_513 = tpu.memref_squeeze %dma_wait3A_512 : memref<1x128x128xf32, #tpu.memory_space<vmem>> -> memref<128x128xf32, #tpu.memory_space<vmem>>
        tpu.wait_dma2 semaphore(%arg15 : memref<!tpu.dma_semaphore, #tpu.memory_space<semaphore_mem>>) src(%dma_wait3A_513 : memref<128x128xf32, #tpu.memory_space<vmem>>) dst(%dma_wait3A_509 : memref<128x128xf32, #tpu.memory_space<hbm>>)
        %add3A_514 = arith.constant 2 : i32
        %add3A_515 = arith.addi %add3A_425, %add3A_514 : i32
        %dma_start3A_516 = arith.constant 1 : i32
        %dma_start3A_517 = arith.constant 0 : i32
        %dma_start3A_518 = arith.constant 0 : i32
        %dma_start3A_519 = tpu.memref_slice %arg8[%dma_start3A_516, %dma_start3A_517, %dma_start3A_518] : memref<5x128x128xf32, #tpu.memory_space<vmem>> -> memref<1x128x128xf32, #tpu.memory_space<vmem>>
        %dma_start3A_520 = tpu.memref_squeeze %dma_start3A_519 : memref<1x128x128xf32, #tpu.memory_space<vmem>> -> memref<128x128xf32, #tpu.memory_space<vmem>>
        %dma_start3A_521 = arith.constant 0 : i32
        %dma_start3A_522 = tpu.memref_slice %arg6[%add3A_515, %dma_start3A_521] : memref<50x128xi32, #tpu.memory_space<vmem>> -> memref<1x128xi32, #tpu.memory_space<vmem>>
        %dma_start3A_523 = tpu.memref_squeeze %dma_start3A_522 : memref<1x128xi32, #tpu.memory_space<vmem>> -> memref<128xi32, #tpu.memory_space<vmem>>
        %dma_start3A_524 = arith.constant 0 : i32
        %dma_start3A_525 = arith.constant 0 : i32
        %dma_start3A_526 = tpu.memref_slice %arg3[%dma_start3A_524, %dma_start3A_525] : memref<100000x128xf32, #tpu.memory_space<hbm>> -> memref<100000x128xf32, #tpu.memory_space<hbm>>
        tpu.enqueue_indirect_dma source(%dma_start3A_526 : memref<100000x128xf32, #tpu.memory_space<hbm>>) target(%dma_start3A_520 : memref<128x128xf32, #tpu.memory_space<vmem>>) offsets(%dma_start3A_523 : memref<128xi32, #tpu.memory_space<vmem>>) semaphore(%arg10 : memref<!tpu.dma_semaphore, #tpu.memory_space<semaphore_mem>>)
      } else {
      }
      %dma_wait3A_431 = arith.constant 0 : i32
      %dma_wait3A_432 = arith.constant 4 : i32
      %dma_wait3A_433 = arith.constant 0 : i32
      %dma_wait3A_434 = arith.constant 0 : i32
      %dma_wait3A_435 = tpu.memref_slice %arg8[%dma_wait3A_432, %dma_wait3A_433, %dma_wait3A_434] : memref<5x128x128xf32, #tpu.memory_space<vmem>> -> memref<1x128x128xf32, #tpu.memory_space<vmem>>
      %dma_wait3A_436 = tpu.memref_squeeze %dma_wait3A_435 : memref<1x128x128xf32, #tpu.memory_space<vmem>> -> memref<128x128xf32, #tpu.memory_space<vmem>>
      %dma_wait3A_437 = arith.constant 0 : i32
      %dma_wait3A_438 = tpu.memref_slice %arg6[%dma_wait3A_431, %dma_wait3A_437] : memref<50x128xi32, #tpu.memory_space<vmem>> -> memref<1x128xi32, #tpu.memory_space<vmem>>
      %dma_wait3A_439 = tpu.memref_squeeze %dma_wait3A_438 : memref<1x128xi32, #tpu.memory_space<vmem>> -> memref<128xi32, #tpu.memory_space<vmem>>
      %dma_wait3A_440 = arith.constant 0 : i32
      %dma_wait3A_441 = arith.constant 0 : i32
      %dma_wait3A_442 = tpu.memref_slice %arg3[%dma_wait3A_440, %dma_wait3A_441] : memref<100000x128xf32, #tpu.memory_space<hbm>> -> memref<100000x128xf32, #tpu.memory_space<hbm>>
      tpu.wait_indirect_dma semaphore(%arg13 : memref<!tpu.dma_semaphore, #tpu.memory_space<semaphore_mem>>) src(%dma_wait3A_442 : memref<100000x128xf32, #tpu.memory_space<hbm>>) dst(%dma_wait3A_436 : memref<128x128xf32, #tpu.memory_space<vmem>>)
      %get3A_443 = arith.index_cast %add3A_425 : i32 to index
      %get3A_444 = arith.constant 0 : index
      %get3A_445 = tpu.vector_load %arg7[%get3A_443, %get3A_444] {strides = array<i32>} : memref<56x128xf32, #tpu.memory_space<vmem>>, vector<1x16xf32>,
      %get3A_446 = vector.shape_cast %get3A_445 : vector<1x16xf32> to vector<16xf32>
      %get3A_447 = arith.index_cast %add3A_425 : i32 to index
      %get3A_448 = arith.constant 16 : index
      %get3A_449 = tpu.vector_load %arg7[%get3A_447, %get3A_448] {strides = array<i32>} : memref<56x128xf32, #tpu.memory_space<vmem>>, vector<1x16xf32>,
      %get3A_450 = vector.shape_cast %get3A_449 : vector<1x16xf32> to vector<16xf32>
      %get3A_451 = arith.index_cast %add3A_425 : i32 to index
      %get3A_452 = arith.constant 32 : index
      %get3A_453 = tpu.vector_load %arg7[%get3A_451, %get3A_452] {strides = array<i32>} : memref<56x128xf32, #tpu.memory_space<vmem>>, vector<1x16xf32>,
      %get3A_454 = vector.shape_cast %get3A_453 : vector<1x16xf32> to vector<16xf32>
      %get3A_455 = arith.index_cast %add3A_425 : i32 to index
      %get3A_456 = arith.constant 48 : index
      %get3A_457 = tpu.vector_load %arg7[%get3A_455, %get3A_456] {strides = array<i32>} : memref<56x128xf32, #tpu.memory_space<vmem>>, vector<1x16xf32>,
      %get3A_458 = vector.shape_cast %get3A_457 : vector<1x16xf32> to vector<16xf32>
      %get3A_459 = arith.index_cast %add3A_425 : i32 to index
      %get3A_460 = arith.constant 64 : index
      %get3A_461 = tpu.vector_load %arg7[%get3A_459, %get3A_460] {strides = array<i32>} : memref<56x128xf32, #tpu.memory_space<vmem>>, vector<1x16xf32>,
      %get3A_462 = vector.shape_cast %get3A_461 : vector<1x16xf32> to vector<16xf32>
      %get3A_463 = arith.index_cast %add3A_425 : i32 to index
      %get3A_464 = arith.constant 80 : index
      %get3A_465 = tpu.vector_load %arg7[%get3A_463, %get3A_464] {strides = array<i32>} : memref<56x128xf32, #tpu.memory_space<vmem>>, vector<1x16xf32>,
      %get3A_466 = vector.shape_cast %get3A_465 : vector<1x16xf32> to vector<16xf32>
      %get3A_467 = arith.index_cast %add3A_425 : i32 to index
      %get3A_468 = arith.constant 96 : index
      %get3A_469 = tpu.vector_load %arg7[%get3A_467, %get3A_468] {strides = array<i32>} : memref<56x128xf32, #tpu.memory_space<vmem>>, vector<1x16xf32>,
      %get3A_470 = vector.shape_cast %get3A_469 : vector<1x16xf32> to vector<16xf32>
      %get3A_471 = arith.index_cast %add3A_425 : i32 to index
      %get3A_472 = arith.constant 112 : index
      %get3A_473 = tpu.vector_load %arg7[%get3A_471, %get3A_472] {strides = array<i32>} : memref<56x128xf32, #tpu.memory_space<vmem>>, vector<1x16xf32>,
      %get3A_474 = vector.shape_cast %get3A_473 : vector<1x16xf32> to vector<16xf32>
      %scan3A_475 = arith.constant 0 : i32
      %scan3A_476 = arith.constant 0 : i32
      %scan3A_477 = arith.constant 128 : i32
      %scan3A_478 = arith.addi %scan3A_476, %scan3A_477 : i32
      %scan3A_479 = arith.constant 1 : i32
      %scan3A_480 = scf.for %scan3A_498 = %scan3A_476 to %scan3A_478 step %scan3A_479 iter_args(%scan3A_499 = %scan3A_475) -> (i32)  : i32 {
        %get3A_500 = arith.constant 4 : i32
        %get3A_501 = arith.index_cast %get3A_500 : i32 to index
        %get3A_502 = arith.index_cast %scan3A_498 : i32 to index
        %get3A_503 = arith.constant 0 : index
        %get3A_504 = tpu.vector_load %arg8[%get3A_501, %get3A_502, %get3A_503] {strides = array<i32>} : memref<5x128x128xf32, #tpu.memory_space<vmem>>, vector<1x1x16xf32>,
        %get3A_505 = vector.shape_cast %get3A_504 : vector<1x1x16xf32> to vector<16xf32>
        %add3A_506 = arith.addf %get3A_505, %get3A_446 : vector<16xf32>
        %swap3A = arith.constant 4 : i32
        %swap3A_507 = arith.index_cast %swap3A : i32 to index
        %swap3A_508 = arith.index_cast %scan3A_498 : i32 to index
        %swap3A_509 = arith.constant 0 : index
        %swap3A_510 = tpu.vector_load %arg8[%swap3A_507, %swap3A_508, %swap3A_509] {strides = array<i32>} : memref<5x128x128xf32, #tpu.memory_space<vmem>>, vector<1x1x16xf32>,
        %swap3A_511 = vector.shape_cast %swap3A_510 : vector<1x1x16xf32> to vector<16xf32>
        %swap3A_512 = vector.shape_cast %add3A_506 : vector<16xf32> to vector<1x1x16xf32>
        tpu.vector_store %arg8[%swap3A_507, %swap3A_508, %swap3A_509], %swap3A_512 {strides = array<i32>} : memref<5x128x128xf32, #tpu.memory_space<vmem>>, vector<1x1x16xf32>,
        %get3A_513 = arith.constant 4 : i32
        %get3A_514 = arith.index_cast %get3A_513 : i32 to index
        %get3A_515 = arith.index_cast %scan3A_498 : i32 to index
        %get3A_516 = arith.constant 16 : index
        %get3A_517 = tpu.vector_load %arg8[%get3A_514, %get3A_515, %get3A_516] {strides = array<i32>} : memref<5x128x128xf32, #tpu.memory_space<vmem>>, vector<1x1x16xf32>,
        %get3A_518 = vector.shape_cast %get3A_517 : vector<1x1x16xf32> to vector<16xf32>
        %add3A_519 = arith.addf %get3A_518, %get3A_450 : vector<16xf32>
        %swap3A_520 = arith.constant 4 : i32
        %swap3A_521 = arith.index_cast %swap3A_520 : i32 to index
        %swap3A_522 = arith.index_cast %scan3A_498 : i32 to index
        %swap3A_523 = arith.constant 16 : index
        %swap3A_524 = tpu.vector_load %arg8[%swap3A_521, %swap3A_522, %swap3A_523] {strides = array<i32>} : memref<5x128x128xf32, #tpu.memory_space<vmem>>, vector<1x1x16xf32>,
        %swap3A_525 = vector.shape_cast %swap3A_524 : vector<1x1x16xf32> to vector<16xf32>
        %swap3A_526 = vector.shape_cast %add3A_519 : vector<16xf32> to vector<1x1x16xf32>
        tpu.vector_store %arg8[%swap3A_521, %swap3A_522, %swap3A_523], %swap3A_526 {strides = array<i32>} : memref<5x128x128xf32, #tpu.memory_space<vmem>>, vector<1x1x16xf32>,
        %get3A_527 = arith.constant 4 : i32
        %get3A_528 = arith.index_cast %get3A_527 : i32 to index
        %get3A_529 = arith.index_cast %scan3A_498 : i32 to index
        %get3A_530 = arith.constant 32 : index
        %get3A_531 = tpu.vector_load %arg8[%get3A_528, %get3A_529, %get3A_530] {strides = array<i32>} : memref<5x128x128xf32, #tpu.memory_space<vmem>>, vector<1x1x16xf32>,
        %get3A_532 = vector.shape_cast %get3A_531 : vector<1x1x16xf32> to vector<16xf32>
        %add3A_533 = arith.addf %get3A_532, %get3A_454 : vector<16xf32>
        %swap3A_534 = arith.constant 4 : i32
        %swap3A_535 = arith.index_cast %swap3A_534 : i32 to index
        %swap3A_536 = arith.index_cast %scan3A_498 : i32 to index
        %swap3A_537 = arith.constant 32 : index
        %swap3A_538 = tpu.vector_load %arg8[%swap3A_535, %swap3A_536, %swap3A_537] {strides = array<i32>} : memref<5x128x128xf32, #tpu.memory_space<vmem>>, vector<1x1x16xf32>,
        %swap3A_539 = vector.shape_cast %swap3A_538 : vector<1x1x16xf32> to vector<16xf32>
        %swap3A_540 = vector.shape_cast %add3A_533 : vector<16xf32> to vector<1x1x16xf32>
        tpu.vector_store %arg8[%swap3A_535, %swap3A_536, %swap3A_537], %swap3A_540 {strides = array<i32>} : memref<5x128x128xf32, #tpu.memory_space<vmem>>, vector<1x1x16xf32>,
        %get3A_541 = arith.constant 4 : i32
        %get3A_542 = arith.index_cast %get3A_541 : i32 to index
        %get3A_543 = arith.index_cast %scan3A_498 : i32 to index
        %get3A_544 = arith.constant 48 : index
        %get3A_545 = tpu.vector_load %arg8[%get3A_542, %get3A_543, %get3A_544] {strides = array<i32>} : memref<5x128x128xf32, #tpu.memory_space<vmem>>, vector<1x1x16xf32>,
        %get3A_546 = vector.shape_cast %get3A_545 : vector<1x1x16xf32> to vector<16xf32>
        %add3A_547 = arith.addf %get3A_546, %get3A_458 : vector<16xf32>
        %swap3A_548 = arith.constant 4 : i32
        %swap3A_549 = arith.index_cast %swap3A_548 : i32 to index
        %swap3A_550 = arith.index_cast %scan3A_498 : i32 to index
        %swap3A_551 = arith.constant 48 : index
        %swap3A_552 = tpu.vector_load %arg8[%swap3A_549, %swap3A_550, %swap3A_551] {strides = array<i32>} : memref<5x128x128xf32, #tpu.memory_space<vmem>>, vector<1x1x16xf32>,
        %swap3A_553 = vector.shape_cast %swap3A_552 : vector<1x1x16xf32> to vector<16xf32>
        %swap3A_554 = vector.shape_cast %add3A_547 : vector<16xf32> to vector<1x1x16xf32>
        tpu.vector_store %arg8[%swap3A_549, %swap3A_550, %swap3A_551], %swap3A_554 {strides = array<i32>} : memref<5x128x128xf32, #tpu.memory_space<vmem>>, vector<1x1x16xf32>,
        %get3A_555 = arith.constant 4 : i32
        %get3A_556 = arith.index_cast %get3A_555 : i32 to index
        %get3A_557 = arith.index_cast %scan3A_498 : i32 to index
        %get3A_558 = arith.constant 64 : index
        %get3A_559 = tpu.vector_load %arg8[%get3A_556, %get3A_557, %get3A_558] {strides = array<i32>} : memref<5x128x128xf32, #tpu.memory_space<vmem>>, vector<1x1x16xf32>,
        %get3A_560 = vector.shape_cast %get3A_559 : vector<1x1x16xf32> to vector<16xf32>
        %add3A_561 = arith.addf %get3A_560, %get3A_462 : vector<16xf32>
        %swap3A_562 = arith.constant 4 : i32
        %swap3A_563 = arith.index_cast %swap3A_562 : i32 to index
        %swap3A_564 = arith.index_cast %scan3A_498 : i32 to index
        %swap3A_565 = arith.constant 64 : index
        %swap3A_566 = tpu.vector_load %arg8[%swap3A_563, %swap3A_564, %swap3A_565] {strides = array<i32>} : memref<5x128x128xf32, #tpu.memory_space<vmem>>, vector<1x1x16xf32>,
        %swap3A_567 = vector.shape_cast %swap3A_566 : vector<1x1x16xf32> to vector<16xf32>
        %swap3A_568 = vector.shape_cast %add3A_561 : vector<16xf32> to vector<1x1x16xf32>
        tpu.vector_store %arg8[%swap3A_563, %swap3A_564, %swap3A_565], %swap3A_568 {strides = array<i32>} : memref<5x128x128xf32, #tpu.memory_space<vmem>>, vector<1x1x16xf32>,
        %get3A_569 = arith.constant 4 : i32
        %get3A_570 = arith.index_cast %get3A_569 : i32 to index
        %get3A_571 = arith.index_cast %scan3A_498 : i32 to index
        %get3A_572 = arith.constant 80 : index
        %get3A_573 = tpu.vector_load %arg8[%get3A_570, %get3A_571, %get3A_572] {strides = array<i32>} : memref<5x128x128xf32, #tpu.memory_space<vmem>>, vector<1x1x16xf32>,
        %get3A_574 = vector.shape_cast %get3A_573 : vector<1x1x16xf32> to vector<16xf32>
        %add3A_575 = arith.addf %get3A_574, %get3A_466 : vector<16xf32>
        %swap3A_576 = arith.constant 4 : i32
        %swap3A_577 = arith.index_cast %swap3A_576 : i32 to index
        %swap3A_578 = arith.index_cast %scan3A_498 : i32 to index
        %swap3A_579 = arith.constant 80 : index
        %swap3A_580 = tpu.vector_load %arg8[%swap3A_577, %swap3A_578, %swap3A_579] {strides = array<i32>} : memref<5x128x128xf32, #tpu.memory_space<vmem>>, vector<1x1x16xf32>,
        %swap3A_581 = vector.shape_cast %swap3A_580 : vector<1x1x16xf32> to vector<16xf32>
        %swap3A_582 = vector.shape_cast %add3A_575 : vector<16xf32> to vector<1x1x16xf32>
        tpu.vector_store %arg8[%swap3A_577, %swap3A_578, %swap3A_579], %swap3A_582 {strides = array<i32>} : memref<5x128x128xf32, #tpu.memory_space<vmem>>, vector<1x1x16xf32>,
        %get3A_583 = arith.constant 4 : i32
        %get3A_584 = arith.index_cast %get3A_583 : i32 to index
        %get3A_585 = arith.index_cast %scan3A_498 : i32 to index
        %get3A_586 = arith.constant 96 : index
        %get3A_587 = tpu.vector_load %arg8[%get3A_584, %get3A_585, %get3A_586] {strides = array<i32>} : memref<5x128x128xf32, #tpu.memory_space<vmem>>, vector<1x1x16xf32>,
        %get3A_588 = vector.shape_cast %get3A_587 : vector<1x1x16xf32> to vector<16xf32>
        %add3A_589 = arith.addf %get3A_588, %get3A_470 : vector<16xf32>
        %swap3A_590 = arith.constant 4 : i32
        %swap3A_591 = arith.index_cast %swap3A_590 : i32 to index
        %swap3A_592 = arith.index_cast %scan3A_498 : i32 to index
        %swap3A_593 = arith.constant 96 : index
        %swap3A_594 = tpu.vector_load %arg8[%swap3A_591, %swap3A_592, %swap3A_593] {strides = array<i32>} : memref<5x128x128xf32, #tpu.memory_space<vmem>>, vector<1x1x16xf32>,
        %swap3A_595 = vector.shape_cast %swap3A_594 : vector<1x1x16xf32> to vector<16xf32>
        %swap3A_596 = vector.shape_cast %add3A_589 : vector<16xf32> to vector<1x1x16xf32>
        tpu.vector_store %arg8[%swap3A_591, %swap3A_592, %swap3A_593], %swap3A_596 {strides = array<i32>} : memref<5x128x128xf32, #tpu.memory_space<vmem>>, vector<1x1x16xf32>,
        %get3A_597 = arith.constant 4 : i32
        %get3A_598 = arith.index_cast %get3A_597 : i32 to index
        %get3A_599 = arith.index_cast %scan3A_498 : i32 to index
        %get3A_600 = arith.constant 112 : index
        %get3A_601 = tpu.vector_load %arg8[%get3A_598, %get3A_599, %get3A_600] {strides = array<i32>} : memref<5x128x128xf32, #tpu.memory_space<vmem>>, vector<1x1x16xf32>,
        %get3A_602 = vector.shape_cast %get3A_601 : vector<1x1x16xf32> to vector<16xf32>
        %add3A_603 = arith.addf %get3A_602, %get3A_474 : vector<16xf32>
        %swap3A_604 = arith.constant 4 : i32
        %swap3A_605 = arith.index_cast %swap3A_604 : i32 to index
        %swap3A_606 = arith.index_cast %scan3A_498 : i32 to index
        %swap3A_607 = arith.constant 112 : index
        %swap3A_608 = tpu.vector_load %arg8[%swap3A_605, %swap3A_606, %swap3A_607] {strides = array<i32>} : memref<5x128x128xf32, #tpu.memory_space<vmem>>, vector<1x1x16xf32>,
        %swap3A_609 = vector.shape_cast %swap3A_608 : vector<1x1x16xf32> to vector<16xf32>
        %swap3A_610 = vector.shape_cast %add3A_603 : vector<16xf32> to vector<1x1x16xf32>
        tpu.vector_store %arg8[%swap3A_605, %swap3A_606, %swap3A_607], %swap3A_610 {strides = array<i32>} : memref<5x128x128xf32, #tpu.memory_space<vmem>>, vector<1x1x16xf32>,
        %scan3A_611 = arith.constant 0 : i32
        scf.yield %scan3A_611 : i32
      }
      %scan3A_481 = arith.constant 128 : i32
      %dma_start3A_482 = arith.constant 4 : i32
      %dma_start3A_483 = arith.constant 0 : i32
      %dma_start3A_484 = arith.constant 0 : i32
      %dma_start3A_485 = tpu.memref_slice %arg8[%dma_start3A_482, %dma_start3A_483, %dma_start3A_484] : memref<5x128x128xf32, #tpu.memory_space<vmem>> -> memref<1x128x128xf32, #tpu.memory_space<vmem>>
      %dma_start3A_486 = tpu.memref_squeeze %dma_start3A_485 : memref<1x128x128xf32, #tpu.memory_space<vmem>> -> memref<128x128xf32, #tpu.memory_space<vmem>>
      %dma_start3A_487 = arith.constant 0 : i32
      %dma_start3A_488 = tpu.memref_slice %arg5[%add3A_425, %mul3A_2, %dma_start3A_487] : memref<50x4096x128xf32, #tpu.memory_space<hbm>> -> memref<1x128x128xf32, #tpu.memory_space<hbm>>
      %dma_start3A_489 = tpu.memref_squeeze %dma_start3A_488 : memref<1x128x128xf32, #tpu.memory_space<hbm>> -> memref<128x128xf32, #tpu.memory_space<hbm>>
      %dma_start3A_490 = arith.constant 0 : i32
      %dma_start3A_491 = tpu.memref_slice %arg5[%add3A_425, %mul3A_2, %dma_start3A_490] : memref<50x4096x128xf32, #tpu.memory_space<hbm>> -> memref<1x128x128xf32, #tpu.memory_space<hbm>>
      %dma_start3A_492 = tpu.memref_squeeze %dma_start3A_491 : memref<1x128x128xf32, #tpu.memory_space<hbm>> -> memref<128x128xf32, #tpu.memory_space<hbm>>
      %dma_start3A_493 = arith.constant 0 : i32
      %dma_start3A_494 = arith.constant 0 : i32
      %dma_start3A_495 = tpu.memref_slice %arg8[%dma_start3A_482, %dma_start3A_493, %dma_start3A_494] : memref<5x128x128xf32, #tpu.memory_space<vmem>> -> memref<1x128x128xf32, #tpu.memory_space<vmem>>
      %dma_start3A_496 = tpu.memref_squeeze %dma_start3A_495 : memref<1x128x128xf32, #tpu.memory_space<vmem>> -> memref<128x128xf32, #tpu.memory_space<vmem>>
      tpu.enqueue_dma source(%dma_start3A_496 : memref<128x128xf32, #tpu.memory_space<vmem>>) target(%dma_start3A_492 : memref<128x128xf32, #tpu.memory_space<hbm>>) target_semaphore(%arg18 : memref<!tpu.dma_semaphore, #tpu.memory_space<semaphore_mem>>)
      %scan3A_497 = arith.constant 0 : i32
      scf.yield %scan3A_497 : i32
    }
    %scan3A_31 = arith.constant 10 : i32
    %dma_wait3A = arith.constant 0 : i32
    %dma_wait3A_32 = arith.constant 0 : i32
    %dma_wait3A_33 = arith.constant 0 : i32
    %dma_wait3A_34 = arith.constant 0 : i32
    %dma_wait3A_35 = tpu.memref_slice %arg8[%dma_wait3A, %dma_wait3A_33, %dma_wait3A_34] : memref<5x128x128xf32, #tpu.memory_space<vmem>> -> memref<1x128x128xf32, #tpu.memory_space<vmem>>
    %dma_wait3A_36 = tpu.memref_squeeze %dma_wait3A_35 : memref<1x128x128xf32, #tpu.memory_space<vmem>> -> memref<128x128xf32, #tpu.memory_space<vmem>>
    %dma_wait3A_37 = arith.constant 0 : i32
    %dma_wait3A_38 = tpu.memref_slice %arg5[%dma_wait3A_32, %mul3A_2, %dma_wait3A_37] : memref<50x4096x128xf32, #tpu.memory_space<hbm>> -> memref<1x128x128xf32, #tpu.memory_space<hbm>>
    %dma_wait3A_39 = tpu.memref_squeeze %dma_wait3A_38 : memref<1x128x128xf32, #tpu.memory_space<hbm>> -> memref<128x128xf32, #tpu.memory_space<hbm>>
    %dma_wait3A_40 = arith.constant 0 : i32
    %dma_wait3A_41 = tpu.memref_slice %arg5[%dma_wait3A_32, %mul3A_2, %dma_wait3A_40] : memref<50x4096x128xf32, #tpu.memory_space<hbm>> -> memref<1x128x128xf32, #tpu.memory_space<hbm>>
    %dma_wait3A_42 = tpu.memref_squeeze %dma_wait3A_41 : memref<1x128x128xf32, #tpu.memory_space<hbm>> -> memref<128x128xf32, #tpu.memory_space<hbm>>
    %dma_wait3A_43 = arith.constant 0 : i32
    %dma_wait3A_44 = arith.constant 0 : i32
    %dma_wait3A_45 = tpu.memref_slice %arg8[%dma_wait3A, %dma_wait3A_43, %dma_wait3A_44] : memref<5x128x128xf32, #tpu.memory_space<vmem>> -> memref<1x128x128xf32, #tpu.memory_space<vmem>>
    %dma_wait3A_46 = tpu.memref_squeeze %dma_wait3A_45 : memref<1x128x128xf32, #tpu.memory_space<vmem>> -> memref<128x128xf32, #tpu.memory_space<vmem>>
    tpu.wait_dma2 semaphore(%arg14 : memref<!tpu.dma_semaphore, #tpu.memory_space<semaphore_mem>>) src(%dma_wait3A_46 : memref<128x128xf32, #tpu.memory_space<vmem>>) dst(%dma_wait3A_42 : memref<128x128xf32, #tpu.memory_space<hbm>>)
    %dma_wait3A_47 = arith.constant 1 : i32
    %dma_wait3A_48 = arith.constant 0 : i32
    %dma_wait3A_49 = arith.constant 0 : i32
    %dma_wait3A_50 = arith.constant 0 : i32
    %dma_wait3A_51 = tpu.memref_slice %arg8[%dma_wait3A_47, %dma_wait3A_49, %dma_wait3A_50] : memref<5x128x128xf32, #tpu.memory_space<vmem>> -> memref<1x128x128xf32, #tpu.memory_space<vmem>>
    %dma_wait3A_52 = tpu.memref_squeeze %dma_wait3A_51 : memref<1x128x128xf32, #tpu.memory_space<vmem>> -> memref<128x128xf32, #tpu.memory_space<vmem>>
    %dma_wait3A_53 = arith.constant 0 : i32
    %dma_wait3A_54 = tpu.memref_slice %arg5[%dma_wait3A_48, %mul3A_2, %dma_wait3A_53] : memref<50x4096x128xf32, #tpu.memory_space<hbm>> -> memref<1x128x128xf32, #tpu.memory_space<hbm>>
    %dma_wait3A_55 = tpu.memref_squeeze %dma_wait3A_54 : memref<1x128x128xf32, #tpu.memory_space<hbm>> -> memref<128x128xf32, #tpu.memory_space<hbm>>
    %dma_wait3A_56 = arith.constant 0 : i32
    %dma_wait3A_57 = tpu.memref_slice %arg5[%dma_wait3A_48, %mul3A_2, %dma_wait3A_56] : memref<50x4096x128xf32, #tpu.memory_space<hbm>> -> memref<1x128x128xf32, #tpu.memory_space<hbm>>
    %dma_wait3A_58 = tpu.memref_squeeze %dma_wait3A_57 : memref<1x128x128xf32, #tpu.memory_space<hbm>> -> memref<128x128xf32, #tpu.memory_space<hbm>>
    %dma_wait3A_59 = arith.constant 0 : i32
    %dma_wait3A_60 = arith.constant 0 : i32
    %dma_wait3A_61 = tpu.memref_slice %arg8[%dma_wait3A_47, %dma_wait3A_59, %dma_wait3A_60] : memref<5x128x128xf32, #tpu.memory_space<vmem>> -> memref<1x128x128xf32, #tpu.memory_space<vmem>>
    %dma_wait3A_62 = tpu.memref_squeeze %dma_wait3A_61 : memref<1x128x128xf32, #tpu.memory_space<vmem>> -> memref<128x128xf32, #tpu.memory_space<vmem>>
    tpu.wait_dma2 semaphore(%arg15 : memref<!tpu.dma_semaphore, #tpu.memory_space<semaphore_mem>>) src(%dma_wait3A_62 : memref<128x128xf32, #tpu.memory_space<vmem>>) dst(%dma_wait3A_58 : memref<128x128xf32, #tpu.memory_space<hbm>>)
    %dma_wait3A_63 = arith.constant 2 : i32
    %dma_wait3A_64 = arith.constant 0 : i32
    %dma_wait3A_65 = arith.constant 0 : i32
    %dma_wait3A_66 = arith.constant 0 : i32
    %dma_wait3A_67 = tpu.memref_slice %arg8[%dma_wait3A_63, %dma_wait3A_65, %dma_wait3A_66] : memref<5x128x128xf32, #tpu.memory_space<vmem>> -> memref<1x128x128xf32, #tpu.memory_space<vmem>>
    %dma_wait3A_68 = tpu.memref_squeeze %dma_wait3A_67 : memref<1x128x128xf32, #tpu.memory_space<vmem>> -> memref<128x128xf32, #tpu.memory_space<vmem>>
    %dma_wait3A_69 = arith.constant 0 : i32
    %dma_wait3A_70 = tpu.memref_slice %arg5[%dma_wait3A_64, %mul3A_2, %dma_wait3A_69] : memref<50x4096x128xf32, #tpu.memory_space<hbm>> -> memref<1x128x128xf32, #tpu.memory_space<hbm>>
    %dma_wait3A_71 = tpu.memref_squeeze %dma_wait3A_70 : memref<1x128x128xf32, #tpu.memory_space<hbm>> -> memref<128x128xf32, #tpu.memory_space<hbm>>
    %dma_wait3A_72 = arith.constant 0 : i32
    %dma_wait3A_73 = tpu.memref_slice %arg5[%dma_wait3A_64, %mul3A_2, %dma_wait3A_72] : memref<50x4096x128xf32, #tpu.memory_space<hbm>> -> memref<1x128x128xf32, #tpu.memory_space<hbm>>
    %dma_wait3A_74 = tpu.memref_squeeze %dma_wait3A_73 : memref<1x128x128xf32, #tpu.memory_space<hbm>> -> memref<128x128xf32, #tpu.memory_space<hbm>>
    %dma_wait3A_75 = arith.constant 0 : i32
    %dma_wait3A_76 = arith.constant 0 : i32
    %dma_wait3A_77 = tpu.memref_slice %arg8[%dma_wait3A_63, %dma_wait3A_75, %dma_wait3A_76] : memref<5x128x128xf32, #tpu.memory_space<vmem>> -> memref<1x128x128xf32, #tpu.memory_space<vmem>>
    %dma_wait3A_78 = tpu.memref_squeeze %dma_wait3A_77 : memref<1x128x128xf32, #tpu.memory_space<vmem>> -> memref<128x128xf32, #tpu.memory_space<vmem>>
    tpu.wait_dma2 semaphore(%arg16 : memref<!tpu.dma_semaphore, #tpu.memory_space<semaphore_mem>>) src(%dma_wait3A_78 : memref<128x128xf32, #tpu.memory_space<vmem>>) dst(%dma_wait3A_74 : memref<128x128xf32, #tpu.memory_space<hbm>>)
    %dma_wait3A_79 = arith.constant 3 : i32
    %dma_wait3A_80 = arith.constant 0 : i32
    %dma_wait3A_81 = arith.constant 0 : i32
    %dma_wait3A_82 = arith.constant 0 : i32
    %dma_wait3A_83 = tpu.memref_slice %arg8[%dma_wait3A_79, %dma_wait3A_81, %dma_wait3A_82] : memref<5x128x128xf32, #tpu.memory_space<vmem>> -> memref<1x128x128xf32, #tpu.memory_space<vmem>>
    %dma_wait3A_84 = tpu.memref_squeeze %dma_wait3A_83 : memref<1x128x128xf32, #tpu.memory_space<vmem>> -> memref<128x128xf32, #tpu.memory_space<vmem>>
    %dma_wait3A_85 = arith.constant 0 : i32
    %dma_wait3A_86 = tpu.memref_slice %arg5[%dma_wait3A_80, %mul3A_2, %dma_wait3A_85] : memref<50x4096x128xf32, #tpu.memory_space<hbm>> -> memref<1x128x128xf32, #tpu.memory_space<hbm>>
    %dma_wait3A_87 = tpu.memref_squeeze %dma_wait3A_86 : memref<1x128x128xf32, #tpu.memory_space<hbm>> -> memref<128x128xf32, #tpu.memory_space<hbm>>
    %dma_wait3A_88 = arith.constant 0 : i32
    %dma_wait3A_89 = tpu.memref_slice %arg5[%dma_wait3A_80, %mul3A_2, %dma_wait3A_88] : memref<50x4096x128xf32, #tpu.memory_space<hbm>> -> memref<1x128x128xf32, #tpu.memory_space<hbm>>
    %dma_wait3A_90 = tpu.memref_squeeze %dma_wait3A_89 : memref<1x128x128xf32, #tpu.memory_space<hbm>> -> memref<128x128xf32, #tpu.memory_space<hbm>>
    %dma_wait3A_91 = arith.constant 0 : i32
    %dma_wait3A_92 = arith.constant 0 : i32
    %dma_wait3A_93 = tpu.memref_slice %arg8[%dma_wait3A_79, %dma_wait3A_91, %dma_wait3A_92] : memref<5x128x128xf32, #tpu.memory_space<vmem>> -> memref<1x128x128xf32, #tpu.memory_space<vmem>>
    %dma_wait3A_94 = tpu.memref_squeeze %dma_wait3A_93 : memref<1x128x128xf32, #tpu.memory_space<vmem>> -> memref<128x128xf32, #tpu.memory_space<vmem>>
    tpu.wait_dma2 semaphore(%arg17 : memref<!tpu.dma_semaphore, #tpu.memory_space<semaphore_mem>>) src(%dma_wait3A_94 : memref<128x128xf32, #tpu.memory_space<vmem>>) dst(%dma_wait3A_90 : memref<128x128xf32, #tpu.memory_space<hbm>>)
    %dma_wait3A_95 = arith.constant 4 : i32
    %dma_wait3A_96 = arith.constant 0 : i32
    %dma_wait3A_97 = arith.constant 0 : i32
    %dma_wait3A_98 = arith.constant 0 : i32
    %dma_wait3A_99 = tpu.memref_slice %arg8[%dma_wait3A_95, %dma_wait3A_97, %dma_wait3A_98] : memref<5x128x128xf32, #tpu.memory_space<vmem>> -> memref<1x128x128xf32, #tpu.memory_space<vmem>>
    %dma_wait3A_100 = tpu.memref_squeeze %dma_wait3A_99 : memref<1x128x128xf32, #tpu.memory_space<vmem>> -> memref<128x128xf32, #tpu.memory_space<vmem>>
    %dma_wait3A_101 = arith.constant 0 : i32
    %dma_wait3A_102 = tpu.memref_slice %arg5[%dma_wait3A_96, %mul3A_2, %dma_wait3A_101] : memref<50x4096x128xf32, #tpu.memory_space<hbm>> -> memref<1x128x128xf32, #tpu.memory_space<hbm>>
    %dma_wait3A_103 = tpu.memref_squeeze %dma_wait3A_102 : memref<1x128x128xf32, #tpu.memory_space<hbm>> -> memref<128x128xf32, #tpu.memory_space<hbm>>
    %dma_wait3A_104 = arith.constant 0 : i32
    %dma_wait3A_105 = tpu.memref_slice %arg5[%dma_wait3A_96, %mul3A_2, %dma_wait3A_104] : memref<50x4096x128xf32, #tpu.memory_space<hbm>> -> memref<1x128x128xf32, #tpu.memory_space<hbm>>
    %dma_wait3A_106 = tpu.memref_squeeze %dma_wait3A_105 : memref<1x128x128xf32, #tpu.memory_space<hbm>> -> memref<128x128xf32, #tpu.memory_space<hbm>>
    %dma_wait3A_107 = arith.constant 0 : i32
    %dma_wait3A_108 = arith.constant 0 : i32
    %dma_wait3A_109 = tpu.memref_slice %arg8[%dma_wait3A_95, %dma_wait3A_107, %dma_wait3A_108] : memref<5x128x128xf32, #tpu.memory_space<vmem>> -> memref<1x128x128xf32, #tpu.memory_space<vmem>>
    %dma_wait3A_110 = tpu.memref_squeeze %dma_wait3A_109 : memref<1x128x128xf32, #tpu.memory_space<vmem>> -> memref<128x128xf32, #tpu.memory_space<vmem>>
    tpu.wait_dma2 semaphore(%arg18 : memref<!tpu.dma_semaphore, #tpu.memory_space<semaphore_mem>>) src(%dma_wait3A_110 : memref<128x128xf32, #tpu.memory_space<vmem>>) dst(%dma_wait3A_106 : memref<128x128xf32, #tpu.memory_space<hbm>>)
    return
  }
}

</mosaic_0001>

<sc_bundles>
// kernel: kernel.3.cloned.1.call-start
scs
__scs_entry_jumppad:
0x0: {  	(pc) =	sbr.rel $0x88, $3  }
0x1: {  	(tag) =	ssettag $0x0;
	lr =	simm.s32 $0x1  }
0x2: {  	[smem:$0x3F9E] =	sst lr;
	_ =	strace $0xD0000000  }
0x3: {  	_ = 	snop  }
0x4: {  	_ = 	snop  }
0x5: {  	_ = 	snop  }
0x6: {  	_ = 	snop  }
0x7: {  	_ = 	snop  }
__scs_overlays_trampoline_lowered:
0x8: {  	[smem:$0x3FAD] =	sst s0  }
0x9: {  	[smem:$0x3FAE] =	sst s1  }
0xa: {  	[smem:$0x3FAF] =	sst s2  }
0xb: {  	[smem:$0x3FB0] =	sst s3  }
0xc: {  	[smem:$0x3FB1] =	sst s4  }
0xd: {  	[smem:$0x3FB2] =	sst s5  }
0xe: {  	[smem:$0x3FB3] =	sst s6  }
0xf: {  	[smem:$0x3FB4] =	sst s7  }
0x10: {  	[smem:$0x3FB5] =	sst s8  }
0x11: {  	[smem:$0x3FB6] =	sst s9;
	s0 =	simm.s32 @!p0 $0x0  }
0x12: {  	s1 =	sld [smem:$0x3F9C];
	s0 =	simm.s32 @p0 $0x1  }
0x13: {  	[smem:$0x3FB7] =	sst s0;
	s0 =	simm.s32 @!p1 $0x0  }
0x14: {  	s2 =	sld [smem:$0x3F9B];
	s0 =	simm.s32 @p1 $0x1  }
0x15: {  	[smem:$0x3FB8] =	sst s0;
	s0 =	simm.s32 @!p2 $0x0  }
0x16: {  	s3 =	sld [smem:$0x3FDB];
	s0 =	simm.s32 @p2 $0x1  }
0x17: {  	s4 =	simm.s32 $0x1BF5;
	[smem:$0x3FBA] =	sst s0  }
0x18: {  	s0 =	sld [smem:$0x3F9D];
	_ =	swait.ge [sflag:s4], $0x0  }
0x19: {  	s7 =	sld [smem:$0x3F9E]  }
0x1a: {  	s8 =	sadd.s32 $0xFFFFE003, lr  }
0x1b: {  	s9 =	sadd.s32 $0xFFFFFEF7, lr;
	s5 =	simm.s32 $0xFFFFFFFF;
	p2 =	slt.u32 s8, $0xFFFFF086  }
0x1c: {  	p1 =	slt.u32 s9, $0xF7A;
	s5 =	simm.s32 @!p2 $0x0  }
0x1d: {  	s5 =	simm.s32 @p1 $0x1;
	p0 =	seq.s32 s7, s2  }
0x1e: {  	s7 =	smul.u32 @!p0 $0xF7A, s2;
	p2 =	seq.s32 @!p0 s5, $0x0  }
0x1f: {  	s9 =	smul.u32 $0xF7A, s1;
	s8 =	simm.s32 @!p0 $0x1BF5;
	p2 =	por !p2, p0  }
0x20: {  	[sflag:s8] =	ssyncset.s32 @!p0 $0xFFFFF086;
	s6 =	sadd.s32 @!p0 s3, s7;
	s7 =	simm.s32 @!p0 $0x108  }
0x21: {  	s3 =	sadd.s32 s3, s9;
	s6 =	sadd.s32 @!p0 $0x88, s6;
	s7 =	simm.s32 @p2 $0x1082  }
0x22: {  	[simem:s7], [sflag:s8] =	dma.local @!p0 [hbm:s6], $0xF7A  }
0x23: {  	s9 =	sor.u32 $0xD0000000, s2;
	s6 =	simm.s32 $0x108;
	_ =	swait.ge @!p0 [sflag:s8], $0x0  }
0x24: {  	s3 =	sadd.s32 $0x88, s3;
	s6 =	simm.s32 @!p1 $0x1082;
	[sflag:s4] =	ssyncset.s32 $0xFFFFF086  }
0x25: {  	[simem:s6], [sflag:s4] =	dma.local [hbm:s3], $0xF7A  }
0x26: {  	[smem:$0x3F9E] =	sst s1;
	(tag) =	ssettag s2;
	_ =	strace s9  }
0x27: {  	s1 =	sld [smem:$0x3FAE]  }
0x28: {  	s2 =	sld [smem:$0x3FAF]  }
0x29: {  	s4 =	sld [smem:$0x3FB1]  }
0x2a: {  	p0 =	seq.s32 s5, $0x0;
	s5 =	sld [smem:$0x3FB2]  }
0x2b: {  	s6 =	sld [smem:$0x3FB3]  }
0x2c: {  	s7 =	sld [smem:$0x3FB4]  }
0x2d: {  	s3 =	simm.s32 $0x108;
	s8 =	sld [smem:$0x3FB5]  }
0x2e: {  	s3 =	simm.s32 @!p0 $0x1082;
	s9 =	sld [smem:$0x3FB6]  }
0x2f: {  	lr =	sadd.s32 s0, s3;
	s0 =	sld [smem:$0x3FAD]  }
0x30: {  	s3 =	sld [smem:$0x3FB0]  }
0x31: {  	[smem:$0x3FB9] =	sst s10  }
0x32: {  	s10 =	sld [smem:$0x3FB7];
	_ =	sdelay $0x3  }
0x33: {  	p0 =	seq.s32 s10, $0x1;
	s10 =	sld [smem:$0x3FB9];
	_ =	sdelay $0x3  }
0x34: {  	[smem:$0x3FB9] =	sst s10  }
0x35: {  	s10 =	sld [smem:$0x3FB8];
	_ =	sdelay $0x3  }
0x36: {  	p1 =	seq.s32 s10, $0x1;
	s10 =	sld [smem:$0x3FB9];
	_ =	sdelay $0x3  }
0x37: {  	[smem:$0x3FB9] =	sst s10  }
0x38: {  	s10 =	sld [smem:$0x3FBA]  }
0x39: {  	_ = 	snop;
	(pc) =	sbr.ind lr, $3  }
0x3a: {  	_ = 	snop  }
0x3b: {  	_ = 	snop  }
0x3c: {  	p2 =	seq.s32 s10, $0x1;
	s10 =	sld [smem:$0x3FB9]  }
0x3d: {  	_ =	shalt  }
0x3e: {  	_ =	shalt  }
0x3f: {  	_ =	shalt  }
0x40: {  	_ =	shalt  }
0x41: {  	_ =	shalt  }
0x42: {  	_ =	shalt  }
0x43: {  	_ =	shalt  }
0x44: {  	_ =	shalt  }
0x45: {  	_ =	shalt  }
0x46: {  	_ =	shalt  }
0x47: {  	_ =	shalt  }
0x48: {  	_ =	shalt  }
0x49: {  	_ =	shalt  }
0x4a: {  	_ =	shalt  }
0x4b: {  	_ =	shalt  }
0x4c: {  	_ =	shalt  }
0x4d: {  	_ =	shalt  }
0x4e: {  	_ =	shalt  }
0x4f: {  	_ =	shalt  }
0x50: {  	_ =	shalt  }
0x51: {  	_ =	shalt  }
0x52: {  	_ =	shalt  }
0x53: {  	_ =	shalt  }
0x54: {  	_ =	shalt  }
0x55: {  	_ =	shalt  }
0x56: {  	_ =	shalt  }
0x57: {  	_ =	shalt  }
0x58: {  	_ =	shalt  }
0x59: {  	_ =	shalt  }
0x5a: {  	_ =	shalt  }
0x5b: {  	_ =	shalt  }
0x5c: {  	_ =	shalt  }
0x5d: {  	_ =	shalt  }
0x5e: {  	_ =	shalt  }
0x5f: {  	_ =	shalt  }
0x60: {  	_ =	shalt  }
0x61: {  	_ =	shalt  }
0x62: {  	_ =	shalt  }
0x63: {  	_ =	shalt  }
0x64: {  	_ =	shalt  }
0x65: {  	_ =	shalt  }
0x66: {  	_ =	shalt  }
0x67: {  	_ =	shalt  }
0x68: {  	_ =	shalt  }
0x69: {  	_ =	shalt  }
0x6a: {  	_ =	shalt  }
0x6b: {  	_ =	shalt  }
0x6c: {  	_ =	shalt  }
0x6d: {  	_ =	shalt  }
0x6e: {  	_ =	shalt  }
0x6f: {  	_ =	shalt  }
0x70: {  	_ =	shalt  }
0x71: {  	_ =	shalt  }
0x72: {  	_ =	shalt  }
0x73: {  	_ =	shalt  }
0x74: {  	_ =	shalt  }
0x75: {  	_ =	shalt  }
0x76: {  	_ =	shalt  }
0x77: {  	_ =	shalt  }
0x78: {  	_ =	shalt  }
0x79: {  	_ =	shalt  }
0x7a: {  	_ =	shalt  }
0x7b: {  	_ =	shalt  }
0x7c: {  	_ =	shalt  }
0x7d: {  	_ =	shalt  }
0x7e: {  	_ =	shalt  }
0x7f: {  	_ =	shalt  }
0x80: {  	_ =	shalt  }
0x81: {  	_ =	shalt  }
0x82: {  	_ =	shalt  }
0x83: {  	_ =	shalt  }
0x84: {  	_ =	shalt  }
0x85: {  	_ =	shalt  }
0x86: {  	_ =	shalt  }
0x87: {  	_ =	shalt  }
.Lfunc_end0:
.L_simem_size_0:
called_computation_lowered:
.L_overlay_start_0:
0x88: {  	s2 =	sld [smem:$0x3FD9]  }
0x89: {  	s3 =	sld [smem:$0x3FFE];
	_ =	sdelay $0x1  }
0x8a: {  	s1 =	srdreg.scid  }
0x8b: {  	s0 =	sand.u32 $0x1, s1  }
0x8c: {  	s18 =	sshll.u32 s0, $0xA;
	s2 =	sadd.s32 s3, s2  }
0x8d: {  	s2 =	sadd.s32 s2, s18  }
0x8e: {  	[smem:$0x3FC5] =	sst s2  }
0x8f: {  	_ = 	snop  }
0x90: {  	s2 =	sld [smem:$0x3FC9]  }
0x91: {  	s19 =	sld [smem:$0x3FC8]  }
0x92: {  	s4 =	sld [smem:$0x3FC7]  }
0x93: {  	s5 =	sld [smem:$0x3FD0];
	(tm) =	ssettm $0x1  }
0x94: {  	s6 =	sld [smem:$0x3FFB];
	_ =	sdelay $0x3  }
0x95: {  	_ =	strace s6  }
0x96: {  	s6 =	sld [smem:$0x3FFC];
	_ =	sdelay $0x3  }
0x97: {  	_ =	strace s6  }
0x98: {  	s6 =	sld [smem:$0x3FFD];
	_ =	sdelay $0x3  }
0x99: {  	_ =	strace s6  }
0x9a: {  	_ =	strace $0x8FFFFFFF  }
0x9b: {  	s20 =	sld [smem:$0x3FDB];
	_ =	sdelay $0x1  }
0x9c: {  	s7 =	simm.s32 $_scs_section_size  }
0x9d: {  	s8 =	simm.s32 $_size__tile_overlayer_lowered;
	s9 =	simm.s32 $_tile_overlayer_lowered  }
0x9e: {  	s23 =	simm.s32 $0x1BFF;
	s22 =	sshll.u32 s9, $0x1;
	s6 =	sadd.s32 s7, s20  }
0x9f: {  	s10 =	simm.s32 $0x0;
	s21 =	sshll.u32 s8, $0x1;
	s8 =	sadd.s32 s22, s6  }
0xa0: {  	[timem:s10], [sflag:s23] =	dma.local [hbm:s8], s21  }
0xa1: {  	_ =	swait.ge [sflag:s23], s21  }
0xa2: {  	s7 =	ssub.s32 $0x0, s21;
	[sflag:s23] =	ssyncset.done $0x0  }
0xa3: {  	[sflag:s23] =	ssyncadd.s32 s7;
	_ =	sdelay $0x1  }
0xa4: {  	s24 =	simm.s32 $0x1B8B  }
0xa5: {  	_ =	swait.ge [sflag:s24], $0x1  }
0xa6: {  	[sflag:s24] =	ssyncset.done $0x0  }
0xa7: {  	s25 =	simm.s32 $0x1B8E;
	[sflag:s24] =	ssyncadd.s32 $0xFFFFFFFF  }
0xa8: {  	s26 =	simm.s32 $execute0_lowered;
	[smem:$0x3FD2] =	sst s25  }
0xa9: {  	s7 =	sshll.u32 s26, $0x1;
	_ =	strace $0x80000046;
	[dreg:$0x1] =	wrdreg $0xFFFFFFFF  }
0xaa: {  	s28 =	simm.s32 $_size_execute0_lowered;
	s6 =	sadd.s32 s6, s7;
	[dreg:$0x0] =	wrdreg $0x0  }
0xab: {  	s7 =	sshll.u32 s28, $0x1;
	[dreg:$0x2] =	wrdreg s6  }
0xac: {  	[dreg:$0x3] =	wrdreg s7  }
0xad: {  	[dreg:$0x4] =	wrdreg $0xC0  }
0xae: {  	_ =	task [dreg:s10], $0x5FFFF  }
0xaf: {  	[dreg:$0x1] =	wrdreg $0xFFFFFFFF  }
0xb0: {  	[dreg:$0x0] =	wrdreg $0x60  }
0xb1: {  	[dreg:$0x2] =	wrdreg s2  }
0xb2: {  	[dreg:$0x3] =	wrdreg s19  }
0xb3: {  	[dreg:$0x4] =	wrdreg s4  }
0xb4: {  	[dreg:$0x5] =	wrdreg s5  }
0xb5: {  	[dreg:$0x6] =	wrdreg $0x9  }
0xb6: {  	_ =	task.clear_ibuf [dreg:s10], $0x7FFFF;
	_ =	strace $0x90000046  }
0xb7: {  	s29 =	simm.s32 $0x9;
	_ =	strace $0x80000048  }
0xb8: {  	_ =	swait.ge [sflag:s29], $0x1  }
0xb9: {  	[sflag:s29] =	ssyncadd.s32 $0xFFFFFFFF  }
0xba: {  	_ =	strace $0x90000048  }
0xbb: {  	_ =	sfence  }
0xbc: {  	s30 =	sld [smem:$0x0];
	_ =	sdelay $0x2  }
0xbd: {  	s31 =	sshll.u32 s1, $0xD;
	s1 =	sshrl.u32 s1, $0x2  }
0xbe: {  	s3 =	sand.u32 $0x4000, s31;
	s1 =	sadd.s32 s1, s30  }
0xbf: {  	s0 =	sor.u32 s3, s0;
	s1 =	sshll.u32 s1, $0x11  }
0xc0: {  	s0 =	sor.u32 s1, s0  }
0xc1: {  	s0 =	sadd.s32 $0x8F2B, s0  }
0xc2: {  	[sflag:s0] =	ssyncadd.remote.s32 $0x1  }
0xc3: {  	_ =	sfence.sel $0xFFFF  }
0xc4: {  	[dreg:$0x0] =	wrdreg $0xFFFFFFFF;
	(pc) =	sbr.abs _section_cstart, $3  }
0xc5: {  	[dreg:$0x1] =	wrdreg $0xFFFFFFFF  }
0xc6: {  	_ =	task.clear_ibuf [dreg:s10], $0x2FFFF;
	_ =	strace $0x9FFFFFFF  }
0xc7: {  	(tm) =	ssettm $0x7FFFFFFF  }
tec
execute0_lowered:
.L_overlay_start_1:
0x0: {  	(tag) =	ssettag $0x1  }
0x1: {  	s0 =	rddreg [dreg:$0x0]  }
0x2: {  	s2 =	rddreg [dreg:$0x1];
	s1 =	srdreg.scid  }
0x3: {  	s4 =	rddreg [dreg:$0x3];
	s3 =	stileid.u32;
	s5 =	simm.s32 $0x0  }
0x4: {  	s13 =	simm.s32 $0xB;
	s15 =	simm.s32 $0x80;
	s16 =	simm.s32 $0x3800  }
0x5: {  	s17 =	simm.s32 $0x7800;
	s18 =	simm.s32 $0xB800;
	s19 =	simm.s32 $0x1  }
0x6: {  	s20 =	simm.s32 $0xF800;
	s21 =	simm.s32 $0x2;
	s22 =	simm.s32 $0x13800  }
0x7: {  	s23 =	simm.s32 $0x3;
	s24 =	simm.s32 $0x4;
	s28 =	simm.s32 $0x7  }
0x8: {  	s29 =	simm.s32 $0x8;
	s30 =	simm.s32 $0x9;
	s1 =	sand.u32 $0x1, s1  }
0x9: {  	s31 =	simm.s32 $0xA;
	s3 =	sshll.u32 s3, $0x8;
	s6 =	sshll.u32 s1, $0x7  }
0xa: {  	[smem:$0x7FF] =	sst s5;
	s1 =	ssub.s32 $0x2, s1;
	s3 =	sor.u32 s6, s3  }
0xb: {  	_ =	strace $0x80000047;
	s7 =	sshrl.u32 s1, $0x1;
	s6 =	sadd.s32 s0, s3  }
0xc: {  	s25 =	ssub.s32 s1, s7;
	s8 =	sshll.u32 s3, $0x7;
	s26 =	sadd.s32 $0x6000, s6  }
0xd: {  	s0 =	smax.u32 s25, $0x1;
	s25 =	simm.s32 $0x5;
	[dreg:$0x5] =	wrdreg s26  }
0xe: {  	[dreg:$0x6] =	wrdreg s0;
	s26 =	simm.s32 $0x6;
	s0 =	simm.s32 $0x0  }
.LBB2_1:
0xf: {  	s1 =	simm.s32 $0x400;
	s3 =	simm.s32 $0x8000  }
0x10: {  	[tilespmem:s5], [sflag:$0xB] =	stream.strided.gather [hbm4b:s6+s1], $0x1800, s3, s1, $0x38;
	[tilespmem:$0x17800] =	vst v63  }
0x11: {  	s10 =	rddreg [dreg:$0x5];
	s11 =	simm.s32 $0x1800  }
0x12: {  	[tilespmem:s11], [sflag:$0xB] =	stream.linear.gather [hbm4b:s10+s5], $0x100, $0x38;
	[tilespmem:$0x17800] =	vst v63  }
0x13: {  	_ =	swait.ge [sflag:s13], $0x1900  }
0x14: {  	[sflag:s13] =	ssyncset.done $0x0  }
0x15: {  	[sflag:s13] =	ssyncadd.s32 $0xFFFFE700  }
0x16: {  	s14 =	simm.s32 $0x1C00;
	s12 =	rddreg [dreg:$0x2]  }
0x17: {  	[tilespmem:s14], [sflag:$0xB] =	stream.linear.gather [hbm4b:s12+s5], $0x1C00, $0x38;
	[tilespmem:$0x17800] =	vst v63  }
0x18: {  	_ =	swait.ge [sflag:s13], $0x1C00  }
0x19: {  	[sflag:s13] =	ssyncset.done $0x0  }
0x1a: {  	[sflag:s13] =	ssyncadd.s32 $0xFFFFE400  }
0x1b: {  	[tilespmem:s16], [sflag:$0x1] =	stream.indirect.gather [hbm4b:s2+s15], $0x80, s5, s15, $0xb8;
	[tilespmem:$0x17800] =	vst v63  }
0x1c: {  	s1 =	simm.s32 $0x0  }
0x1d: {  	[tilespmem:s17], [sflag:$0x2] =	stream.indirect.gather [hbm4b:s2+s15], $0x80, s15, s15, $0xb8;
	[tilespmem:$0x17800] =	vst v63  }
.LBB2_2:
0x1e: {  	p0 =	seq.s32 s1, $0x0  }
0x1f: {  	s10 =	smul.u32 @!p0 $0xA00, s1  }
0x20: {  	s3 =	simm.s32 @!p0 $0x8  }
0x21: {  	_ =	swait.ge @!p0 [sflag:s3], $0x4000;
	s7 =	sshra.s32 @!p0 s10, $0x2  }
0x22: {  	[sflag:s3] =	ssyncset.done @!p0 $0x0;
	s7 =	simm.s32 @p0 $0x0  }
0x23: {  	[sflag:s3] =	ssyncadd.s32 @!p0 $0xFFFFC000;
	s12 =	sadd.s32 $0x100, s7  }
0x24: {  	[tilespmem:s18], [sflag:$0x3] =	stream.indirect.gather [hbm4b:s2+s15], $0x80, s12, s15, $0xb8;
	[tilespmem:$0x17800] =	vst v63  }
0x25: {  	_ =	swait.ge [sflag:s19], $0x4000  }
0x26: {  	s10 =	simm.s32 @p0 $0x0;
	[sflag:s19] =	ssyncset.done $0x0  }
0x27: {  	s14 =	sshra.s32 s10, $0x2;
	[sflag:s19] =	ssyncadd.s32 $0xFFFFC000  }
0x28: {  	v6 =	vld [tilespmem:s14+$0x1C00]  }
0x29: {  	v7 =	vld [tilespmem:s14+$0x1C10]  }
0x2a: {  	v5 =	vld [tilespmem:s14+$0x1C20]  }
0x2b: {  	v4 =	vld [tilespmem:s14+$0x1C30]  }
0x2c: {  	v3 =	vld [tilespmem:s14+$0x1C40]  }
0x2d: {  	v2 =	vld [tilespmem:s14+$0x1C50]  }
0x2e: {  	v1 =	vld [tilespmem:s14+$0x1C60]  }
0x2f: {  	s11 =	simm.s32 $0x0;
	v0 =	vld [tilespmem:s14+$0x1C70]  }
0x30: {  	v11 =	vld [tilespmem:s11+$0x3800]  }
0x31: {  	v13 =	vld [tilespmem:s11+$0x3810]  }
0x32: {  	v12 =	vld [tilespmem:s11+$0x3820]  }
0x33: {  	v10 =	vld [tilespmem:s11+$0x3830]  }
0x34: {  	v8 =	vld [tilespmem:s11+$0x3840]  }
0x35: {  	v9 =	vld [tilespmem:s11+$0x3850];
	v14 =	vadd.f32 v11, v6  }
0x36: {  	s3 =	smul.u32 $0x5, s1;
	s12 =	simm.s32 $0x200;
	v13 =	vadd.f32 v13, v7;
	v11 =	vld [tilespmem:s11+$0x3860]  }
.LBB2_3:
0x37: {  	s7 =	sshra.s32 s12, $0x2;
	p1 =	sne.s32 s12, $0xFE00;
	[tilespmem:s11+$0x3800] =	vst v14;
	v12 =	vadd.f32 v12, v5;
	v14 =	vld [tilespmem:s11+$0x3870]  }
0x38: {  	v15 =	vld [tilespmem:s7+$0x3800];
	[tilespmem:s11+$0x3810] =	vst v13;
	v10 =	vadd.f32 v10, v4  }
0x39: {  	v13 =	vld [tilespmem:s7+$0x3810];
	[tilespmem:s11+$0x3820] =	vst v12;
	v8 =	vadd.f32 v8, v3  }
.Ltmp0:
0x3a: {  	v12 =	vld [tilespmem:s7+$0x3820];
	[tilespmem:s11+$0x3830] =	vst v10;
	v9 =	vadd.f32 v9, v2;
	(pc) =	sbr.rel @p1 .LBB2_3-.Ltmp0, $4  }
0x3b: {  	v10 =	vld [tilespmem:s7+$0x3830];
	[tilespmem:s11+$0x3840] =	vst v8;
	v11 =	vadd.f32 v11, v1  }
0x3c: {  	v8 =	vld [tilespmem:s7+$0x3840];
	[tilespmem:s11+$0x3850] =	vst v9;
	v16 =	vadd.f32 v14, v0  }
0x3d: {  	v14 =	vadd.f32 v15, v6;
	v9 =	vld [tilespmem:s7+$0x3850];
	[tilespmem:s11+$0x3860] =	vst v11  }
0x3e: {  	s12 =	sadd.s32 $0x200, s12;
	v13 =	vadd.f32 v13, v7;
	v11 =	vld [tilespmem:s7+$0x3860];
	[tilespmem:s11+$0x3870] =	vst v16;
	s11 =	smov.u32 s7  }
0x3f: {  	[tilespmem:s11+$0x3800] =	vst v14;
	v5 =	vadd.f32 v12, v5;
	v6 =	vld [tilespmem:s11+$0x3870]  }
0x40: {  	[tilespmem:s11+$0x3810] =	vst v13;
	v4 =	vadd.f32 v10, v4  }
0x41: {  	[tilespmem:s11+$0x3820] =	vst v5;
	v3 =	vadd.f32 v8, v3  }
0x42: {  	s7 =	smul.u32 $0x280000, s1;
	[tilespmem:s11+$0x3830] =	vst v4;
	v2 =	vadd.f32 v9, v2  }
0x43: {  	[tilespmem:s11+$0x3840] =	vst v3;
	v1 =	vadd.f32 v11, v1  }
0x44: {  	s7 =	sor.u32 s8, s7;
	[tilespmem:s11+$0x3850] =	vst v2;
	v0 =	vadd.f32 v6, v0  }
0x45: {  	s7 =	sshrl.u32 s7, $0x3;
	[tilespmem:s11+$0x3860] =	vst v1  }
0x46: {  	s7 =	sadd.s32 s4, s7;
	[tilespmem:s11+$0x3870] =	vst v0  }
0x47: {  	[hbm4b:s7+s5] =	stream.linear.scatter [tilespmem:s16], [sflag:$0x6], $0x4000, $0x38;
	[tilespmem:$0x17800] =	vst v63  }
0x48: {  	s7 =	simm.s32 @!p0 $0x9  }
0x49: {  	s11 =	sshra.s32 @!p0 s10, $0x2;
	_ =	swait.ge @!p0 [sflag:s7], $0x4000  }
0x4a: {  	s11 =	simm.s32 @p0 $0x0;
	[sflag:s7] =	ssyncset.done @!p0 $0x0  }
0x4b: {  	s12 =	sadd.s32 $0x180, s11;
	[sflag:s7] =	ssyncadd.s32 @!p0 $0xFFFFC000  }
0x4c: {  	[tilespmem:s20], [sflag:$0x4] =	stream.indirect.gather [hbm4b:s2+s15], $0x80, s12, s15, $0xb8;
	[tilespmem:$0x17800] =	vst v63  }
0x4d: {  	s12 =	sadd.s32 $0x1, s3;
	_ =	swait.ge [sflag:s21], $0x4000  }
0x4e: {  	s14 =	sshll.u32 s12, $0x7;
	[sflag:s21] =	ssyncset.done $0x0  }
0x4f: {  	s7 =	sand.u32 $0x3FFFFF80, s14;
	[sflag:s21] =	ssyncadd.s32 $0xFFFFC000  }
0x50: {  	v6 =	vld [tilespmem:s7+$0x1C00]  }
0x51: {  	v7 =	vld [tilespmem:s7+$0x1C10]  }
0x52: {  	v5 =	vld [tilespmem:s7+$0x1C20]  }
0x53: {  	v4 =	vld [tilespmem:s7+$0x1C30]  }
0x54: {  	v3 =	vld [tilespmem:s7+$0x1C40]  }
0x55: {  	v2 =	vld [tilespmem:s7+$0x1C50]  }
0x56: {  	v1 =	vld [tilespmem:s7+$0x1C60]  }
0x57: {  	s14 =	simm.s32 $0x0;
	v0 =	vld [tilespmem:s7+$0x1C70]  }
0x58: {  	v11 =	vld [tilespmem:s14+$0x7800]  }
0x59: {  	v13 =	vld [tilespmem:s14+$0x7810]  }
0x5a: {  	v12 =	vld [tilespmem:s14+$0x7820]  }
0x5b: {  	v10 =	vld [tilespmem:s14+$0x7830]  }
0x5c: {  	v8 =	vld [tilespmem:s14+$0x7840]  }
0x5d: {  	v9 =	vld [tilespmem:s14+$0x7850];
	v14 =	vadd.f32 v11, v6  }
0x5e: {  	s7 =	simm.s32 $0x200;
	v13 =	vadd.f32 v13, v7;
	v11 =	vld [tilespmem:s14+$0x7860]  }
.LBB2_5:
0x5f: {  	s9 =	sshra.s32 s7, $0x2;
	p1 =	sne.s32 s7, $0xFE00;
	[tilespmem:s14+$0x7800] =	vst v14;
	v12 =	vadd.f32 v12, v5;
	v14 =	vld [tilespmem:s14+$0x7870]  }
0x60: {  	v15 =	vld [tilespmem:s9+$0x7800];
	[tilespmem:s14+$0x7810] =	vst v13;
	v10 =	vadd.f32 v10, v4  }
0x61: {  	v13 =	vld [tilespmem:s9+$0x7810];
	[tilespmem:s14+$0x7820] =	vst v12;
	v8 =	vadd.f32 v8, v3  }
.Ltmp1:
0x62: {  	v12 =	vld [tilespmem:s9+$0x7820];
	[tilespmem:s14+$0x7830] =	vst v10;
	v9 =	vadd.f32 v9, v2;
	(pc) =	sbr.rel @p1 .LBB2_5-.Ltmp1, $4  }
0x63: {  	v10 =	vld [tilespmem:s9+$0x7830];
	[tilespmem:s14+$0x7840] =	vst v8;
	v11 =	vadd.f32 v11, v1  }
0x64: {  	v8 =	vld [tilespmem:s9+$0x7840];
	[tilespmem:s14+$0x7850] =	vst v9;
	v16 =	vadd.f32 v14, v0  }
0x65: {  	v14 =	vadd.f32 v15, v6;
	v9 =	vld [tilespmem:s9+$0x7850];
	[tilespmem:s14+$0x7860] =	vst v11  }
0x66: {  	s7 =	sadd.s32 $0x200, s7;
	v13 =	vadd.f32 v13, v7;
	v11 =	vld [tilespmem:s9+$0x7860];
	[tilespmem:s14+$0x7870] =	vst v16;
	s14 =	smov.u32 s9  }
0x67: {  	[tilespmem:s14+$0x7800] =	vst v14;
	v5 =	vadd.f32 v12, v5;
	v6 =	vld [tilespmem:s14+$0x7870]  }
0x68: {  	[tilespmem:s14+$0x7810] =	vst v13;
	v4 =	vadd.f32 v10, v4  }
0x69: {  	[tilespmem:s14+$0x7820] =	vst v5;
	v3 =	vadd.f32 v8, v3  }
0x6a: {  	[tilespmem:s14+$0x7830] =	vst v4;
	v2 =	vadd.f32 v9, v2  }
0x6b: {  	s7 =	sshll.u32 s12, $0x13;
	[tilespmem:s14+$0x7840] =	vst v3;
	v1 =	vadd.f32 v11, v1  }
0x6c: {  	s7 =	sor.u32 s8, s7;
	[tilespmem:s14+$0x7850] =	vst v2;
	v0 =	vadd.f32 v6, v0  }
0x6d: {  	s7 =	sshrl.u32 s7, $0x3;
	[tilespmem:s14+$0x7860] =	vst v1  }
0x6e: {  	s7 =	sadd.s32 s4, s7;
	[tilespmem:s14+$0x7870] =	vst v0  }
0x6f: {  	[hbm4b:s7+s5] =	stream.linear.scatter [tilespmem:s17], [sflag:$0x7], $0x4000, $0x38;
	[tilespmem:$0x17800] =	vst v63  }
0x70: {  	s7 =	simm.s32 @!p0 $0xA  }
0x71: {  	_ =	swait.ge @!p0 [sflag:s7], $0x4000  }
0x72: {  	[sflag:s7] =	ssyncset.done @!p0 $0x0  }
0x73: {  	s12 =	sadd.s32 $0x200, s11;
	[sflag:s7] =	ssyncadd.s32 @!p0 $0xFFFFC000  }
0x74: {  	[tilespmem:s22], [sflag:$0x5] =	stream.indirect.gather [hbm4b:s2+s15], $0x80, s12, s15, $0xb8;
	[tilespmem:$0x17800] =	vst v63  }
0x75: {  	s11 =	sadd.s32 $0x2, s3;
	_ =	swait.ge [sflag:s23], $0x4000  }
0x76: {  	s14 =	sshll.u32 s11, $0x7;
	[sflag:s23] =	ssyncset.done $0x0  }
0x77: {  	s7 =	sand.u32 $0x3FFFFF80, s14;
	[sflag:s23] =	ssyncadd.s32 $0xFFFFC000  }
0x78: {  	v6 =	vld [tilespmem:s7+$0x1C00]  }
0x79: {  	v7 =	vld [tilespmem:s7+$0x1C10]  }
0x7a: {  	v5 =	vld [tilespmem:s7+$0x1C20]  }
0x7b: {  	v4 =	vld [tilespmem:s7+$0x1C30]  }
0x7c: {  	v3 =	vld [tilespmem:s7+$0x1C40]  }
0x7d: {  	v2 =	vld [tilespmem:s7+$0x1C50]  }
0x7e: {  	v1 =	vld [tilespmem:s7+$0x1C60]  }
0x7f: {  	s12 =	simm.s32 $0x0;
	v0 =	vld [tilespmem:s7+$0x1C70]  }
0x80: {  	v11 =	vld [tilespmem:s12+$0xB800]  }
0x81: {  	v13 =	vld [tilespmem:s12+$0xB810]  }
0x82: {  	v12 =	vld [tilespmem:s12+$0xB820]  }
0x83: {  	v10 =	vld [tilespmem:s12+$0xB830]  }
0x84: {  	v8 =	vld [tilespmem:s12+$0xB840]  }
0x85: {  	v9 =	vld [tilespmem:s12+$0xB850];
	v14 =	vadd.f32 v11, v6  }
0x86: {  	s7 =	simm.s32 $0x200;
	v13 =	vadd.f32 v13, v7;
	v11 =	vld [tilespmem:s12+$0xB860]  }
.LBB2_7:
0x87: {  	s9 =	sshra.s32 s7, $0x2;
	p0 =	sne.s32 s7, $0xFE00;
	[tilespmem:s12+$0xB800] =	vst v14;
	v12 =	vadd.f32 v12, v5;
	v14 =	vld [tilespmem:s12+$0xB870]  }
0x88: {  	v15 =	vld [tilespmem:s9+$0xB800];
	[tilespmem:s12+$0xB810] =	vst v13;
	v10 =	vadd.f32 v10, v4  }
0x89: {  	v13 =	vld [tilespmem:s9+$0xB810];
	[tilespmem:s12+$0xB820] =	vst v12;
	v8 =	vadd.f32 v8, v3  }
.Ltmp2:
0x8a: {  	v12 =	vld [tilespmem:s9+$0xB820];
	[tilespmem:s12+$0xB830] =	vst v10;
	v9 =	vadd.f32 v9, v2;
	(pc) =	sbr.rel @p0 .LBB2_7-.Ltmp2, $4  }
0x8b: {  	v10 =	vld [tilespmem:s9+$0xB830];
	[tilespmem:s12+$0xB840] =	vst v8;
	v11 =	vadd.f32 v11, v1  }
0x8c: {  	v8 =	vld [tilespmem:s9+$0xB840];
	[tilespmem:s12+$0xB850] =	vst v9;
	v16 =	vadd.f32 v14, v0  }
0x8d: {  	v14 =	vadd.f32 v15, v6;
	v9 =	vld [tilespmem:s9+$0xB850];
	[tilespmem:s12+$0xB860] =	vst v11  }
0x8e: {  	s7 =	sadd.s32 $0x200, s7;
	v13 =	vadd.f32 v13, v7;
	v11 =	vld [tilespmem:s9+$0xB860];
	[tilespmem:s12+$0xB870] =	vst v16;
	s12 =	smov.u32 s9  }
0x8f: {  	[tilespmem:s12+$0xB800] =	vst v14;
	v5 =	vadd.f32 v12, v5;
	v6 =	vld [tilespmem:s12+$0xB870]  }
0x90: {  	[tilespmem:s12+$0xB810] =	vst v13;
	v4 =	vadd.f32 v10, v4  }
0x91: {  	[tilespmem:s12+$0xB820] =	vst v5;
	v3 =	vadd.f32 v8, v3  }
0x92: {  	[tilespmem:s12+$0xB830] =	vst v4;
	v2 =	vadd.f32 v9, v2  }
0x93: {  	s7 =	sshll.u32 s11, $0x13;
	[tilespmem:s12+$0xB840] =	vst v3;
	v1 =	vadd.f32 v11, v1  }
0x94: {  	s7 =	sor.u32 s8, s7;
	[tilespmem:s12+$0xB850] =	vst v2;
	v0 =	vadd.f32 v6, v0  }
0x95: {  	s7 =	sshrl.u32 s7, $0x3;
	[tilespmem:s12+$0xB860] =	vst v1  }
0x96: {  	p0 =	seq.s32 s1, $0x9;
	s7 =	sadd.s32 s4, s7;
	[tilespmem:s12+$0xB870] =	vst v0  }
0x97: {  	[hbm4b:s7+s5] =	stream.linear.scatter [tilespmem:s18], [sflag:$0x8], $0x4000, $0x38;
	[tilespmem:$0x17800] =	vst v63  }
0x98: {  	s7 =	simm.s32 @!p0 $0x6  }
0x99: {  	_ =	swait.ge @!p0 [sflag:s7], $0x4000  }
0x9a: {  	s10 =	sshra.s32 @!p0 s10, $0x2;
	s9 =	simm.s32 @!p0 $0x80;
	[sflag:s7] =	ssyncset.done @!p0 $0x0  }
0x9b: {  	s11 =	simm.s32 @!p0 $0x3800;
	[sflag:s7] =	ssyncadd.s32 @!p0 $0xFFFFC000;
	s7 =	sadd.s32 @!p0 $0x280, s10  }
0x9c: {  	[tilespmem:s11], [sflag:$0x1] =	stream.indirect.gather @!p0 [hbm4b:s2+s9], $0x80, s7, s9, $0xb8;
	[tilespmem:$0x17800] =	vst v63  }
0x9d: {  	s11 =	sadd.s32 $0x3, s3;
	_ =	swait.ge [sflag:s24], $0x4000  }
0x9e: {  	s14 =	sshll.u32 s11, $0x7;
	[sflag:s24] =	ssyncset.done $0x0  }
0x9f: {  	s7 =	sand.u32 $0x3FFFFF80, s14;
	[sflag:s24] =	ssyncadd.s32 $0xFFFFC000  }
0xa0: {  	v6 =	vld [tilespmem:s7+$0x1C00]  }
0xa1: {  	v7 =	vld [tilespmem:s7+$0x1C10]  }
0xa2: {  	v5 =	vld [tilespmem:s7+$0x1C20]  }
0xa3: {  	v4 =	vld [tilespmem:s7+$0x1C30]  }
0xa4: {  	v3 =	vld [tilespmem:s7+$0x1C40]  }
0xa5: {  	v2 =	vld [tilespmem:s7+$0x1C50]  }
0xa6: {  	v1 =	vld [tilespmem:s7+$0x1C60]  }
0xa7: {  	s12 =	simm.s32 $0x0;
	v0 =	vld [tilespmem:s7+$0x1C70]  }
0xa8: {  	v11 =	vld [tilespmem:s12+$0xF800]  }
0xa9: {  	v13 =	vld [tilespmem:s12+$0xF810]  }
0xaa: {  	v12 =	vld [tilespmem:s12+$0xF820]  }
0xab: {  	v10 =	vld [tilespmem:s12+$0xF830]  }
0xac: {  	v8 =	vld [tilespmem:s12+$0xF840]  }
0xad: {  	v9 =	vld [tilespmem:s12+$0xF850];
	v14 =	vadd.f32 v11, v6  }
0xae: {  	s7 =	simm.s32 $0x200;
	v13 =	vadd.f32 v13, v7;
	v11 =	vld [tilespmem:s12+$0xF860]  }
.LBB2_9:
0xaf: {  	s9 =	sshra.s32 s7, $0x2;
	p1 =	sne.s32 s7, $0xFE00;
	[tilespmem:s12+$0xF800] =	vst v14;
	v12 =	vadd.f32 v12, v5;
	v14 =	vld [tilespmem:s12+$0xF870]  }
0xb0: {  	v15 =	vld [tilespmem:s9+$0xF800];
	[tilespmem:s12+$0xF810] =	vst v13;
	v10 =	vadd.f32 v10, v4  }
0xb1: {  	v13 =	vld [tilespmem:s9+$0xF810];
	[tilespmem:s12+$0xF820] =	vst v12;
	v8 =	vadd.f32 v8, v3  }
.Ltmp3:
0xb2: {  	v12 =	vld [tilespmem:s9+$0xF820];
	[tilespmem:s12+$0xF830] =	vst v10;
	v9 =	vadd.f32 v9, v2;
	(pc) =	sbr.rel @p1 .LBB2_9-.Ltmp3, $4  }
0xb3: {  	v10 =	vld [tilespmem:s9+$0xF830];
	[tilespmem:s12+$0xF840] =	vst v8;
	v11 =	vadd.f32 v11, v1  }
0xb4: {  	v8 =	vld [tilespmem:s9+$0xF840];
	[tilespmem:s12+$0xF850] =	vst v9;
	v16 =	vadd.f32 v14, v0  }
0xb5: {  	v14 =	vadd.f32 v15, v6;
	v9 =	vld [tilespmem:s9+$0xF850];
	[tilespmem:s12+$0xF860] =	vst v11  }
0xb6: {  	s7 =	sadd.s32 $0x200, s7;
	v13 =	vadd.f32 v13, v7;
	v11 =	vld [tilespmem:s9+$0xF860];
	[tilespmem:s12+$0xF870] =	vst v16;
	s12 =	smov.u32 s9  }
0xb7: {  	[tilespmem:s12+$0xF800] =	vst v14;
	v5 =	vadd.f32 v12, v5;
	v6 =	vld [tilespmem:s12+$0xF870]  }
0xb8: {  	[tilespmem:s12+$0xF810] =	vst v13;
	v4 =	vadd.f32 v10, v4  }
0xb9: {  	[tilespmem:s12+$0xF820] =	vst v5;
	v3 =	vadd.f32 v8, v3  }
0xba: {  	[tilespmem:s12+$0xF830] =	vst v4;
	v2 =	vadd.f32 v9, v2  }
0xbb: {  	s7 =	sshll.u32 s11, $0x13;
	[tilespmem:s12+$0xF840] =	vst v3;
	v1 =	vadd.f32 v11, v1  }
0xbc: {  	s7 =	sor.u32 s8, s7;
	[tilespmem:s12+$0xF850] =	vst v2;
	v0 =	vadd.f32 v6, v0  }
0xbd: {  	s7 =	sshrl.u32 s7, $0x3;
	[tilespmem:s12+$0xF860] =	vst v1  }
0xbe: {  	s7 =	sadd.s32 s4, s7;
	[tilespmem:s12+$0xF870] =	vst v0  }
0xbf: {  	[hbm4b:s7+s5] =	stream.linear.scatter [tilespmem:s20], [sflag:$0x9], $0x4000, $0x38;
	[tilespmem:$0x17800] =	vst v63  }
0xc0: {  	s7 =	simm.s32 @!p0 $0x7  }
0xc1: {  	_ =	swait.ge @!p0 [sflag:s7], $0x4000  }
0xc2: {  	s9 =	simm.s32 @!p0 $0x80;
	[sflag:s7] =	ssyncset.done @!p0 $0x0  }
0xc3: {  	[sflag:s7] =	ssyncadd.s32 @!p0 $0xFFFFC000;
	s7 =	sadd.s32 @!p0 $0x300, s10;
	s10 =	simm.s32 @!p0 $0x7800  }
0xc4: {  	[tilespmem:s10], [sflag:$0x2] =	stream.indirect.gather @!p0 [hbm4b:s2+s9], $0x80, s7, s9, $0xb8;
	[tilespmem:$0x17800] =	vst v63  }
0xc5: {  	s3 =	sadd.s32 $0x4, s3;
	_ =	swait.ge [sflag:s25], $0x4000  }
0xc6: {  	s14 =	sshll.u32 s3, $0x7;
	[sflag:s25] =	ssyncset.done $0x0  }
0xc7: {  	s7 =	sand.u32 $0x3FFFFF80, s14;
	[sflag:s25] =	ssyncadd.s32 $0xFFFFC000  }
0xc8: {  	v6 =	vld [tilespmem:s7+$0x1C00]  }
0xc9: {  	v7 =	vld [tilespmem:s7+$0x1C10]  }
0xca: {  	v5 =	vld [tilespmem:s7+$0x1C20]  }
0xcb: {  	v4 =	vld [tilespmem:s7+$0x1C30]  }
0xcc: {  	v3 =	vld [tilespmem:s7+$0x1C40]  }
0xcd: {  	v2 =	vld [tilespmem:s7+$0x1C50]  }
0xce: {  	v1 =	vld [tilespmem:s7+$0x1C60]  }
0xcf: {  	s10 =	simm.s32 $0x0;
	v0 =	vld [tilespmem:s7+$0x1C70]  }
0xd0: {  	v11 =	vld [tilespmem:s10+$0x13800]  }
0xd1: {  	v13 =	vld [tilespmem:s10+$0x13810]  }
0xd2: {  	v12 =	vld [tilespmem:s10+$0x13820]  }
0xd3: {  	v10 =	vld [tilespmem:s10+$0x13830]  }
0xd4: {  	v8 =	vld [tilespmem:s10+$0x13840]  }
0xd5: {  	v9 =	vld [tilespmem:s10+$0x13850];
	v14 =	vadd.f32 v11, v6  }
0xd6: {  	s7 =	simm.s32 $0x200;
	v13 =	vadd.f32 v13, v7;
	v11 =	vld [tilespmem:s10+$0x13860]  }
.LBB2_11:
0xd7: {  	s9 =	sshra.s32 s7, $0x2;
	p0 =	sne.s32 s7, $0xFE00;
	[tilespmem:s10+$0x13800] =	vst v14;
	v12 =	vadd.f32 v12, v5;
	v14 =	vld [tilespmem:s10+$0x13870]  }
0xd8: {  	v15 =	vld [tilespmem:s9+$0x13800];
	[tilespmem:s10+$0x13810] =	vst v13;
	v10 =	vadd.f32 v10, v4  }
0xd9: {  	v13 =	vld [tilespmem:s9+$0x13810];
	[tilespmem:s10+$0x13820] =	vst v12;
	v8 =	vadd.f32 v8, v3  }
.Ltmp4:
0xda: {  	v12 =	vld [tilespmem:s9+$0x13820];
	[tilespmem:s10+$0x13830] =	vst v10;
	v9 =	vadd.f32 v9, v2;
	(pc) =	sbr.rel @p0 .LBB2_11-.Ltmp4, $4  }
0xdb: {  	v10 =	vld [tilespmem:s9+$0x13830];
	[tilespmem:s10+$0x13840] =	vst v8;
	v11 =	vadd.f32 v11, v1  }
0xdc: {  	v8 =	vld [tilespmem:s9+$0x13840];
	[tilespmem:s10+$0x13850] =	vst v9;
	v16 =	vadd.f32 v14, v0  }
0xdd: {  	v14 =	vadd.f32 v15, v6;
	v9 =	vld [tilespmem:s9+$0x13850];
	[tilespmem:s10+$0x13860] =	vst v11  }
0xde: {  	s7 =	sadd.s32 $0x200, s7;
	v13 =	vadd.f32 v13, v7;
	v11 =	vld [tilespmem:s9+$0x13860];
	[tilespmem:s10+$0x13870] =	vst v16;
	s10 =	smov.u32 s9  }
0xdf: {  	[tilespmem:s10+$0x13800] =	vst v14;
	v5 =	vadd.f32 v12, v5;
	v6 =	vld [tilespmem:s10+$0x13870]  }
0xe0: {  	[tilespmem:s10+$0x13810] =	vst v13;
	v4 =	vadd.f32 v10, v4  }
0xe1: {  	s1 =	sadd.s32 $0x1, s1;
	[tilespmem:s10+$0x13820] =	vst v5;
	v3 =	vadd.f32 v8, v3  }
0xe2: {  	p0 =	sne.s32 s1, $0xA;
	[tilespmem:s10+$0x13830] =	vst v4;
	v2 =	vadd.f32 v9, v2  }
.Ltmp5:
0xe3: {  	s3 =	sshll.u32 s3, $0x13;
	[tilespmem:s10+$0x13840] =	vst v3;
	v1 =	vadd.f32 v11, v1;
	(pc) =	sbr.rel @p0 .LBB2_2-.Ltmp5, $4  }
0xe4: {  	s3 =	sor.u32 s8, s3;
	[tilespmem:s10+$0x13850] =	vst v2;
	v0 =	vadd.f32 v6, v0  }
0xe5: {  	s3 =	sshrl.u32 s3, $0x3;
	[tilespmem:s10+$0x13860] =	vst v1  }
0xe6: {  	s3 =	sadd.s32 s4, s3;
	[tilespmem:s10+$0x13870] =	vst v0  }
0xe7: {  	[hbm4b:s3+s5] =	stream.linear.scatter [tilespmem:s22], [sflag:$0xA], $0x4000, $0x38;
	[tilespmem:$0x17800] =	vst v63  }
0xe8: {  	_ =	swait.ge [sflag:s26], $0x4000  }
0xe9: {  	[sflag:s26] =	ssyncset.done $0x0  }
0xea: {  	[sflag:s26] =	ssyncadd.s32 $0xFFFFC000  }
0xeb: {  	_ =	swait.ge [sflag:s28], $0x4000  }
0xec: {  	[sflag:s28] =	ssyncset.done $0x0  }
0xed: {  	[sflag:s28] =	ssyncadd.s32 $0xFFFFC000  }
0xee: {  	_ =	swait.ge [sflag:s29], $0x4000  }
0xef: {  	[sflag:s29] =	ssyncset.done $0x0  }
0xf0: {  	[sflag:s29] =	ssyncadd.s32 $0xFFFFC000  }
0xf1: {  	_ =	swait.ge [sflag:s30], $0x4000  }
0xf2: {  	[sflag:s30] =	ssyncset.done $0x0  }
0xf3: {  	[sflag:s30] =	ssyncadd.s32 $0xFFFFC000  }
0xf4: {  	_ =	swait.ge [sflag:s31], $0x4000  }
0xf5: {  	s0 =	sadd.s32 $0x1, s0;
	s1 =	rddreg [dreg:$0x6]  }
0xf6: {  	p0 =	sne.s32 s0, s1  }
.Ltmp6:
0xf7: {  	_ = 	snop;
	(pc) =	sbr.rel @p0 .LBB2_1-.Ltmp6, $3  }
0xf8: {  	_ =	sdelay $0x1  }
0xf9: {  	[sflag:s31] =	ssyncset.done $0x0  }
0xfa: {  	[sflag:s31] =	ssyncadd.s32 $0xFFFFC000  }
0xfb: {  	_ =	sfence.sel $0x180000  }
0xfc: {  	[bflag:$0x0] =	sbarrier.arrive $0xFFFF  }
0xfd: {  	_ =	strace $0x90000047  }
0xfe: {  	s0 =	stileid.u32;
	[bflag:$0x2] =	sbarrier.arrive $0xFFFF  }
0xff: {  	p0 =	sne.s32 s0, $0x0;
	s0 =	rddreg [dreg:$0x4]  }
0x100: {  	s0 =	sadd.s32 @!p0 $0x100000, s0  }
0x101: {  	[sflag:s0] =	ssyncadd.tile.s32 @!p0 $0x1;
	_ =	shalt  }
.Lfunc_end2:
_tile_overlayer_lowered:
.L_overlay_start_2:
0x102: {  	(tag) =	ssettag $0x2  }
0x103: {  	s0 =	rddreg [dreg:$0x0];
	s2 =	stileid.u32  }
0x104: {  	s1 =	rddreg [dreg:$0x1];
	p0 =	sne.s32 s2, $0x0  }
0x105: {  	s3 =	rddreg [dreg:$0x2];
	[bflag:$0x3] =	sbarrier.arrive $0xFFFF;
	s2 =	simm.s32 @!p0 $0x1C0B  }
0x106: {  	[timem:s3], [sflag:s2] =	dma.local @!p0 [hbm:s0], s1  }
0x107: {  	s0 =	simm.s32 @!p0 $0xB  }
0x108: {  	_ =	swait.ge @!p0 [sflag:s0], s1  }
0x109: {  	s1 =	ssub.s32 @!p0 $0x0, s1;
	[sflag:s0] =	ssyncset.done @!p0 $0x0  }
0x10a: {  	[sflag:s0] =	ssyncadd.s32 @!p0 s1  }
0x10b: {  	[bflag:$0x3] =	sbarrier.arrive $0xFFFF  }
0x10c: {  	_ =	shalt  }

</sc_bundles>
